<compile_context>
chip_gen: v7x
topology: tpu7x:2x2x1
jax: 0.10.2.dev20260603
libtpu: 0.0.44.dev20260713+nightly
codegen_flags: <defaults>
</compile_context>

<pallas_src>
import functools

import jax
import jax.numpy as jnp
from jax import lax
from jax.experimental import pallas as pl
from jax.experimental.pallas import tpu as pltpu
from jax.experimental.pallas import tpu_sc as plsc

_N = 10000
_E = 320000
_F = 128
_FE = 16
_H = 32
_MSG = 4

_NW = 32
_EW = _E // _NW
_GW = 80
_FOLD = 4
_E4 = _E // _FOLD
_CHUNK = 1000


def _tc_precompute(x, w1a, w1b):
    def body(x_ref, wa_ref, wb_ref, a_ref, b_ref):
        xv = x_ref[...]
        a_ref[...] = jnp.dot(xv, wa_ref[...], preferred_element_type=jnp.float32)
        b_ref[...] = jnp.dot(xv, wb_ref[...], preferred_element_type=jnp.float32)

    return pl.pallas_call(
        body,
        out_shape=[
            jax.ShapeDtypeStruct((_N, _H), jnp.float32),
            jax.ShapeDtypeStruct((_N, _H), jnp.float32),
        ],
    )(x, w1a, w1b)


def _sc_gather(a, b, eni):
    mesh = plsc.VectorSubcoreMesh(core_axis_name="c", subcore_axis_name="s")

    nwin = _EW // _GW
    grows = _GW // 4

    nb = 2

    @functools.partial(
        pl.kernel,
        out_type=jax.ShapeDtypeStruct((_E4, 4 * _H), jnp.float32),
        mesh=mesh,
        compiler_params=pltpu.CompilerParams(use_tc_tiling_on_sc=False),
        scratch_types=(
            [pltpu.VMEM((_EW,), jnp.int32)] * 2
            + [pltpu.VMEM((_GW, _H), jnp.float32)] * (2 * nb)
            + [pltpu.VMEM((grows, 4 * _H), jnp.float32)] * nb
            + [pltpu.SemaphoreType.DMA] * (3 * nb)
        ),
    )
    def k(a_hbm, b_hbm, eni_hbm, g_hbm, i0, i1, *scr):
        abufs = scr[0:nb]
        bbufs = scr[nb:2 * nb]
        obufs = scr[2 * nb:3 * nb]
        sas = scr[3 * nb:4 * nb]
        sbs = scr[4 * nb:5 * nb]
        wss = scr[5 * nb:6 * nb]
        wid = lax.axis_index("s") * 2 + lax.axis_index("c")
        base = wid * _EW
        base4 = wid * (_EW // 4)
        pltpu.sync_copy(eni_hbm.at[0, pl.ds(base, _EW)], i0)
        pltpu.sync_copy(eni_hbm.at[1, pl.ds(base, _EW)], i1)

        def issue(w, j):
            off = w * _GW
            pltpu.async_copy(a_hbm.at[i0.at[pl.ds(off, _GW)]], abufs[j], sas[j])
            pltpu.async_copy(b_hbm.at[i1.at[pl.ds(off, _GW)]], bbufs[j], sbs[j])

        def wait_gathers(j):
            pltpu.make_async_copy(
                a_hbm.at[i0.at[pl.ds(0, _GW)]], abufs[j], sas[j]).wait()
            pltpu.make_async_copy(
                b_hbm.at[i1.at[pl.ds(0, _GW)]], bbufs[j], sbs[j]).wait()

        def add_rows(j):
            abuf, bbuf, obuf = abufs[j], bbufs[j], obufs[j]

            @pl.loop(0, grows)
            def _(q):
                for s in range(4):
                    for h0 in (0, 16):
                        obuf[q, pl.ds(s * _H + h0, 16)] = (
                            abuf[4 * q + s, pl.ds(h0, 16)]
                            + bbuf[4 * q + s, pl.ds(h0, 16)]
                        )

        def wait_write(j):
            pltpu.make_async_copy(obufs[j], g_hbm.at[pl.ds(0, grows)], wss[j]).wait()

        for j in range(nb):
            issue(j, j)

        @pl.loop(0, nwin - 1, step=nb)
        def _(ci):
            for j in range(nb):
                wait_gathers(j)

                @pl.when(ci >= nb)
                def _():
                    wait_write(j)

                add_rows(j)
                pltpu.async_copy(
                    obufs[j], g_hbm.at[pl.ds(base4 + (ci + j) * grows, grows)],
                    wss[j])

                @pl.when(ci + nb + j < nwin)
                def _():
                    issue(ci + nb + j, j)

        wait_gathers(0)
        wait_write(0)
        add_rows(0)
        pltpu.async_copy(
            obufs[0], g_hbm.at[pl.ds(base4 + (nwin - 1) * grows, grows)], wss[0])
        for j in range(nb):
            wait_write(j)

    return k(a, b, eni)


def _tc_edge_mlp(g4, ef4, w1c4, b1e4, w2e4, b2e4):
    rows = 8000
    grid = (_E4 // rows,)

    def body(g_ref, e_ref, w1_ref, b1_ref, w2_ref, b2_ref, o_ref):
        h = (
            g_ref[...]
            + jnp.dot(e_ref[...], w1_ref[...], preferred_element_type=jnp.float32)
            + b1_ref[...]
        )
        h = h * jax.nn.sigmoid(h)
        m = jnp.dot(h, w2_ref[...], preferred_element_type=jnp.float32) + b2_ref[...]
        o_ref[...] = m * jax.nn.sigmoid(m)

    return pl.pallas_call(
        body,
        grid=grid,
        in_specs=[
            pl.BlockSpec((rows, _FOLD * _H), lambda i: (i, 0)),
            pl.BlockSpec((rows, _FOLD * _FE), lambda i: (i, 0)),
            pl.BlockSpec((_FOLD * _FE, _FOLD * _H), lambda i: (0, 0)),
            pl.BlockSpec((1, _FOLD * _H), lambda i: (0, 0)),
            pl.BlockSpec((_FOLD * _H, _FOLD * _MSG), lambda i: (0, 0)),
            pl.BlockSpec((1, _FOLD * _MSG), lambda i: (0, 0)),
        ],
        out_specs=pl.BlockSpec((rows, _FOLD * _MSG), lambda i: (i, 0)),
        out_shape=jax.ShapeDtypeStruct((_E4, _FOLD * _MSG), jnp.float32),
    )(g4, ef4, w1c4, b1e4, w2e4, b2e4)


def _sc_scatter(eni, m_flat):
    mesh = plsc.VectorSubcoreMesh(core_axis_name="c", subcore_axis_name="s")

    nchunks = _EW // _CHUNK

    @functools.partial(
        pl.kernel,
        out_type=jax.ShapeDtypeStruct((_MSG * _NW, _N), jnp.float32),
        mesh=mesh,
        compiler_params=pltpu.CompilerParams(
            use_tc_tiling_on_sc=False, needs_layout_passes=False),
        scratch_types=[
            pltpu.VMEM((_MSG, _N), jnp.float32),
            pltpu.VMEM((_CHUNK,), jnp.int32),
            pltpu.VMEM((_CHUNK,), jnp.int32),
            pltpu.VMEM((_CHUNK * _MSG,), jnp.float32),
            pltpu.VMEM((_CHUNK * _MSG,), jnp.float32),
            pltpu.SemaphoreType.DMA,
            pltpu.SemaphoreType.DMA,
        ],
    )
    def k(eni_hbm, m_hbm, o_hbm, acc, idx0, idx1, mb0, mb1, s0, s1):
        wid = lax.axis_index("s") * 2 + lax.axis_index("c")
        idxs, mbs, sems = (idx0, idx1), (mb0, mb1), (s0, s1)

        def issue(ci, j):
            base = wid * _EW + ci * _CHUNK
            pltpu.async_copy(eni_hbm.at[0, pl.ds(base, _CHUNK)], idxs[j], sems[j])
            pltpu.async_copy(
                m_hbm.at[pl.ds(base * _MSG, _CHUNK * _MSG)], mbs[j], sems[j])

        def wait_in(j):
            pltpu.make_async_copy(
                eni_hbm.at[0, pl.ds(0, _CHUNK)], idxs[j], sems[j]).wait()
            pltpu.make_async_copy(
                m_hbm.at[pl.ds(0, _CHUNK * _MSG)], mbs[j], sems[j]).wait()

        issue(0, 0)
        issue(1, 1)

        @pl.loop(0, _N, step=80)
        def _(j):
            z = jnp.zeros((16,), jnp.float32)
            for r in range(4):
                for c in range(5):
                    acc[r, pl.ds(j + 16 * c, 16)] = z

        lanes = lax.broadcasted_iota(jnp.int32, (16,), 0)
        e_rep = lanes >> 2
        k_rep = lanes & 3

        @pl.loop(0, nchunks, step=2)
        def _(ci):
            for j in range(2):
                wait_in(j)

                @pl.loop(0, _CHUNK, step=4)
                def _(e0):
                    nvec = plsc.load_gather(idxs[j], [e0 + e_rep])
                    vals = mbs[j][pl.ds(e0 * _MSG, 16)]
                    plsc.addupdate_scatter(acc, [k_rep, nvec], vals, mask=e_rep == 0)
                    plsc.addupdate_scatter(acc, [k_rep, nvec], vals, mask=e_rep == 1)
                    plsc.addupdate_scatter(acc, [k_rep, nvec], vals, mask=e_rep == 2)
                    plsc.addupdate_scatter(acc, [k_rep, nvec], vals, mask=e_rep == 3)

                @pl.when(ci + 2 + j < nchunks)
                def _():
                    issue(ci + 2 + j, j)

        pltpu.sync_copy(acc, o_hbm.at[pl.ds(_MSG * wid, _MSG)])

    return k(eni, m_flat)


def _tc_node_mlp(x, pt, w1nx, w1nmt, b1n, w2n, b2n):
    def body(x_ref, p_ref, wx_ref, wm_ref, b1_ref, w2_ref, b2_ref, o_ref):
        h = (
            jnp.dot(x_ref[...], wx_ref[...], preferred_element_type=jnp.float32)
            + lax.dot_general(
                p_ref[...], wm_ref[...], (((0,), (0,)), ((), ())),
                preferred_element_type=jnp.float32,
            )
            + b1_ref[...]
        )
        h = h * jax.nn.sigmoid(h)
        o = jnp.dot(h, w2_ref[...], preferred_element_type=jnp.float32) + b2_ref[...]
        o_ref[...] = o * jax.nn.sigmoid(o)

    return pl.pallas_call(
        body,
        out_shape=jax.ShapeDtypeStruct((_N, _F), jnp.float32),
    )(x, pt, w1nx, w1nmt, b1n, w2n, b2n)


def kernel(node_features, edge_node_indices, edge_features,
           W1e, b1e, W2e, b2e, W1n, b1n, W2n, b2n):
    w1a, w1b, w1c = W1e[:_F], W1e[_F:2 * _F], W1e[2 * _F:]

    a, b = _tc_precompute(node_features, w1a, w1b)
    g4 = _sc_gather(a, b, edge_node_indices)

    eye = jnp.eye(_FOLD, dtype=jnp.float32)
    w1c4 = jnp.kron(eye, w1c)
    b1e4 = jnp.tile(b1e, _FOLD).reshape(1, -1)
    w2e4 = jnp.kron(eye, W2e)
    b2e4 = jnp.tile(b2e, _FOLD).reshape(1, -1)
    ef4 = edge_features.reshape(_E4, _FOLD * _FE)
    m4 = _tc_edge_mlp(g4, ef4, w1c4, b1e4, w2e4, b2e4)

    pt = _sc_scatter(edge_node_indices, m4.reshape(-1))

    w1nx, w1nm = W1n[:_F], W1n[_F:]
    w1nmt = jnp.tile(w1nm, (_NW, 1))
    return _tc_node_mlp(node_features, pt, w1nx, w1nmt,
                        b1n.reshape(1, -1), W2n, b2n.reshape(1, -1))

# --- scband reference (transcript-rebuilt; emitter-appended) ---
"""Pipeline reference for scband-simple-convolutional-layer-19172734009896 (READ-ONLY COPY).

The authoritative reference and input builder live on the scoring server;
editing this copy changes nothing except your own understanding.
"""

import jax, jax.numpy as jnp
import numpy as np

N = 10000
E = 320000
F = 128
FE = 16
H = 32
MSG = 4


def setup_inputs(seed: int = 0) -> dict:
    key = jax.random.key(seed)
    ks = jax.random.split(key, 12)
    node_features = jax.random.normal(ks[0], (N, F), dtype=jnp.float32)
    edge_node_indices = jax.random.randint(ks[1], (2, E), 0, N).astype(jnp.int32)
    edge_features = jax.random.normal(ks[2], (E, FE), dtype=jnp.float32)
    ein = 2 * F + FE  # 272
    nin = F + MSG     # 132
    W1e = jax.random.normal(ks[3], (ein, H), dtype=jnp.float32) * (1.0 / np.sqrt(ein))
    b1e = jnp.zeros((H,), dtype=jnp.float32)
    W2e = jax.random.normal(ks[4], (H, MSG), dtype=jnp.float32) * (1.0 / np.sqrt(H))
    b2e = jnp.zeros((MSG,), dtype=jnp.float32)
    W1n = jax.random.normal(ks[5], (nin, H), dtype=jnp.float32) * (1.0 / np.sqrt(nin))
    b1n = jnp.zeros((H,), dtype=jnp.float32)
    W2n = jax.random.normal(ks[6], (H, F), dtype=jnp.float32) * (1.0 / np.sqrt(H))
    b2n = jnp.zeros((F,), dtype=jnp.float32)
    return {"node_features": node_features, "edge_node_indices": edge_node_indices,
            "edge_features": edge_features, "W1e": W1e, "b1e": b1e, "W2e": W2e, "b2e": b2e,
            "W1n": W1n, "b1n": b1n, "W2n": W2n, "b2n": b2n}


def reference(node_features, edge_node_indices, edge_features, W1e, b1e, W2e, b2e, W1n, b1n, W2n, b2n):
    n0 = edge_node_indices[0]
    n1 = edge_node_indices[1]
    # edge forward: gather endpoint features, concat, edge MLP
    x0 = jnp.take(node_features, n0, axis=0)
    x1 = jnp.take(node_features, n1, axis=0)
    message_input = jnp.concatenate([x0, x1, edge_features], axis=1)
    h = jax.nn.silu(message_input @ W1e + b1e)
    messages = jax.nn.silu(h @ W2e + b2e)
    # scatter-sum messages to source node (node0_indices, matching torch code)
    message_sums = jnp.zeros((node_features.shape[0], messages.shape[1]), dtype=messages.dtype).at[n0].add(messages)
    # node forward
    node_input = jnp.concatenate([node_features, message_sums], axis=1)
    h2 = jax.nn.silu(node_input @ W1n + b1n)
    out = jax.nn.silu(h2 @ W2n + b2n)
    return out

if __name__ == "__main__":
    import jax
    _d = setup_inputs()
    print(jax.jit(kernel)(*tuple(_d.values())))

</pallas_src>

<mosaic_0001>
#map = affine_map<(d0, d1) -> (0, 0)>
#map1 = affine_map<(d0, d1) -> (0)>
module attributes {stable_mosaic.version = 14 : i64} {
  func.func @k(%arg0: i32, %arg1: i32, %arg2: memref<2x320000xi32, #tpu.memory_space<hbm>>, %arg3: memref<1280000xf32, #tpu.memory_space<hbm>>, %arg4: memref<128x10000xf32, #tpu.memory_space<hbm>>, %arg5: memref<4x10000xf32, #tpu.memory_space<vmem>>, %arg6: memref<1000xi32, #tpu.memory_space<vmem>>, %arg7: memref<1000xi32, #tpu.memory_space<vmem>>, %arg8: memref<4000xf32, #tpu.memory_space<vmem>>, %arg9: memref<4000xf32, #tpu.memory_space<vmem>>, %arg10: memref<!tpu.dma_semaphore, #tpu.memory_space<semaphore_mem>>, %arg11: memref<!tpu.dma_semaphore, #tpu.memory_space<semaphore_mem>>) attributes {dimension_semantics = [#tpu.dimension_semantics<core_parallel>, #tpu.dimension_semantics<subcore_parallel>], iteration_bounds = array<i64: 2, 16>, scalar_prefetch = 0 : i64, scratch_operands = 7 : i64, tpu.core_type = #tpu.core_type<sc_vector_subcore>, window_params = [{transform_indices = #map}, {transform_indices = #map1}, {transform_indices = #map}]} {
    %mul3A = arith.constant 2 : i32
    %mul3A_0 = arith.muli %arg1, %mul3A : i32
    %add3A = arith.addi %mul3A_0, %arg0 : i32
    %mul3A_1 = arith.constant 10000 : i32
    %mul3A_2 = arith.muli %add3A, %mul3A_1 : i32
    %add3A_3 = arith.constant 0 : i32
    %add3A_4 = arith.addi %mul3A_2, %add3A_3 : i32
    %dma_start3A = arith.constant 0 : i32
    %dma_start3A_5 = tpu.memref_slice %arg2[%dma_start3A, %add3A_4] : memref<2x320000xi32, #tpu.memory_space<hbm>> -> memref<1x1000xi32, #tpu.memory_space<hbm>>
    %dma_start3A_6 = tpu.memref_squeeze %dma_start3A_5 : memref<1x1000xi32, #tpu.memory_space<hbm>> -> memref<1000xi32, #tpu.memory_space<hbm>>
    %dma_start3A_7 = tpu.memref_slice %arg2[%dma_start3A, %add3A_4] : memref<2x320000xi32, #tpu.memory_space<hbm>> -> memref<1x1000xi32, #tpu.memory_space<hbm>>
    %dma_start3A_8 = tpu.memref_squeeze %dma_start3A_7 : memref<1x1000xi32, #tpu.memory_space<hbm>> -> memref<1000xi32, #tpu.memory_space<hbm>>
    tpu.enqueue_dma source(%dma_start3A_8 : memref<1000xi32, #tpu.memory_space<hbm>>) target(%arg6 : memref<1000xi32, #tpu.memory_space<vmem>>) target_semaphore(%arg10 : memref<!tpu.dma_semaphore, #tpu.memory_space<semaphore_mem>>)
    %mul3A_9 = arith.constant 4 : i32
    %mul3A_10 = arith.muli %add3A_4, %mul3A_9 : i32
    %dma_start3A_11 = tpu.memref_slice %arg3[%mul3A_10] : memref<1280000xf32, #tpu.memory_space<hbm>> -> memref<4000xf32, #tpu.memory_space<hbm>>
    %dma_start3A_12 = tpu.memref_slice %arg3[%mul3A_10] : memref<1280000xf32, #tpu.memory_space<hbm>> -> memref<4000xf32, #tpu.memory_space<hbm>>
    tpu.enqueue_dma source(%dma_start3A_12 : memref<4000xf32, #tpu.memory_space<hbm>>) target(%arg8 : memref<4000xf32, #tpu.memory_space<vmem>>) target_semaphore(%arg10 : memref<!tpu.dma_semaphore, #tpu.memory_space<semaphore_mem>>)
    %mul3A_13 = arith.constant 10000 : i32
    %mul3A_14 = arith.muli %add3A, %mul3A_13 : i32
    %add3A_15 = arith.constant 1000 : i32
    %add3A_16 = arith.addi %mul3A_14, %add3A_15 : i32
    %dma_start3A_17 = arith.constant 0 : i32
    %dma_start3A_18 = tpu.memref_slice %arg2[%dma_start3A_17, %add3A_16] : memref<2x320000xi32, #tpu.memory_space<hbm>> -> memref<1x1000xi32, #tpu.memory_space<hbm>>
    %dma_start3A_19 = tpu.memref_squeeze %dma_start3A_18 : memref<1x1000xi32, #tpu.memory_space<hbm>> -> memref<1000xi32, #tpu.memory_space<hbm>>
    %dma_start3A_20 = tpu.memref_slice %arg2[%dma_start3A_17, %add3A_16] : memref<2x320000xi32, #tpu.memory_space<hbm>> -> memref<1x1000xi32, #tpu.memory_space<hbm>>
    %dma_start3A_21 = tpu.memref_squeeze %dma_start3A_20 : memref<1x1000xi32, #tpu.memory_space<hbm>> -> memref<1000xi32, #tpu.memory_space<hbm>>
    tpu.enqueue_dma source(%dma_start3A_21 : memref<1000xi32, #tpu.memory_space<hbm>>) target(%arg7 : memref<1000xi32, #tpu.memory_space<vmem>>) target_semaphore(%arg11 : memref<!tpu.dma_semaphore, #tpu.memory_space<semaphore_mem>>)
    %mul3A_22 = arith.constant 4 : i32
    %mul3A_23 = arith.muli %add3A_16, %mul3A_22 : i32
    %dma_start3A_24 = tpu.memref_slice %arg3[%mul3A_23] : memref<1280000xf32, #tpu.memory_space<hbm>> -> memref<4000xf32, #tpu.memory_space<hbm>>
    %dma_start3A_25 = tpu.memref_slice %arg3[%mul3A_23] : memref<1280000xf32, #tpu.memory_space<hbm>> -> memref<4000xf32, #tpu.memory_space<hbm>>
    tpu.enqueue_dma source(%dma_start3A_25 : memref<4000xf32, #tpu.memory_space<hbm>>) target(%arg9 : memref<4000xf32, #tpu.memory_space<vmem>>) target_semaphore(%arg11 : memref<!tpu.dma_semaphore, #tpu.memory_space<semaphore_mem>>)
    %scan3A = arith.constant 0 : i32
    %scan3A_26 = arith.constant 125 : i32
    %scan3A_27 = arith.addi %scan3A, %scan3A_26 : i32
    %scan3A_28 = arith.constant 1 : i32
    scf.for %scan3A_41 = %scan3A to %scan3A_27 step %scan3A_28  : i32 {
      %mul3A_42 = arith.constant 80 : i32
      %mul3A_43 = arith.muli %scan3A_41, %mul3A_42 : i32
      %add3A_44 = arith.constant 0 : i32
      %add3A_45 = arith.addi %add3A_44, %mul3A_43 : i32
      %broadcast_in_dim3A = arith.constant 0.000000e+00 : f32
      %broadcast_in_dim3A_46 = vector.broadcast %broadcast_in_dim3A : f32 to vector<16xf32>
      %add3A_47 = arith.constant 0 : i32
      %add3A_48 = arith.addi %add3A_45, %add3A_47 : i32
      %swap3A = arith.constant 0 : i32
      %swap3A_49 = arith.index_cast %swap3A : i32 to index
      %swap3A_50 = arith.index_cast %add3A_48 : i32 to index
      %swap3A_51 = tpu.vector_load %arg5[%swap3A_49, %swap3A_50] {strides = array<i32>} : memref<4x10000xf32, #tpu.memory_space<vmem>>, vector<16xf32>,
      tpu.vector_store %arg5[%swap3A_49, %swap3A_50], %broadcast_in_dim3A_46 {strides = array<i32>} : memref<4x10000xf32, #tpu.memory_space<vmem>>, vector<16xf32>,
      %add3A_52 = arith.constant 16 : i32
      %add3A_53 = arith.addi %add3A_45, %add3A_52 : i32
      %swap3A_54 = arith.constant 0 : i32
      %swap3A_55 = arith.index_cast %swap3A_54 : i32 to index
      %swap3A_56 = arith.index_cast %add3A_53 : i32 to index
      %swap3A_57 = tpu.vector_load %arg5[%swap3A_55, %swap3A_56] {strides = array<i32>} : memref<4x10000xf32, #tpu.memory_space<vmem>>, vector<16xf32>,
      tpu.vector_store %arg5[%swap3A_55, %swap3A_56], %broadcast_in_dim3A_46 {strides = array<i32>} : memref<4x10000xf32, #tpu.memory_space<vmem>>, vector<16xf32>,
      %add3A_58 = arith.constant 32 : i32
      %add3A_59 = arith.addi %add3A_45, %add3A_58 : i32
      %swap3A_60 = arith.constant 0 : i32
      %swap3A_61 = arith.index_cast %swap3A_60 : i32 to index
      %swap3A_62 = arith.index_cast %add3A_59 : i32 to index
      %swap3A_63 = tpu.vector_load %arg5[%swap3A_61, %swap3A_62] {strides = array<i32>} : memref<4x10000xf32, #tpu.memory_space<vmem>>, vector<16xf32>,
      tpu.vector_store %arg5[%swap3A_61, %swap3A_62], %broadcast_in_dim3A_46 {strides = array<i32>} : memref<4x10000xf32, #tpu.memory_space<vmem>>, vector<16xf32>,
      %add3A_64 = arith.constant 48 : i32
      %add3A_65 = arith.addi %add3A_45, %add3A_64 : i32
      %swap3A_66 = arith.constant 0 : i32
      %swap3A_67 = arith.index_cast %swap3A_66 : i32 to index
      %swap3A_68 = arith.index_cast %add3A_65 : i32 to index
      %swap3A_69 = tpu.vector_load %arg5[%swap3A_67, %swap3A_68] {strides = array<i32>} : memref<4x10000xf32, #tpu.memory_space<vmem>>, vector<16xf32>,
      tpu.vector_store %arg5[%swap3A_67, %swap3A_68], %broadcast_in_dim3A_46 {strides = array<i32>} : memref<4x10000xf32, #tpu.memory_space<vmem>>, vector<16xf32>,
      %add3A_70 = arith.constant 64 : i32
      %add3A_71 = arith.addi %add3A_45, %add3A_70 : i32
      %swap3A_72 = arith.constant 0 : i32
      %swap3A_73 = arith.index_cast %swap3A_72 : i32 to index
      %swap3A_74 = arith.index_cast %add3A_71 : i32 to index
      %swap3A_75 = tpu.vector_load %arg5[%swap3A_73, %swap3A_74] {strides = array<i32>} : memref<4x10000xf32, #tpu.memory_space<vmem>>, vector<16xf32>,
      tpu.vector_store %arg5[%swap3A_73, %swap3A_74], %broadcast_in_dim3A_46 {strides = array<i32>} : memref<4x10000xf32, #tpu.memory_space<vmem>>, vector<16xf32>,
      %add3A_76 = arith.constant 0 : i32
      %add3A_77 = arith.addi %add3A_45, %add3A_76 : i32
      %swap3A_78 = arith.constant 1 : i32
      %swap3A_79 = arith.index_cast %swap3A_78 : i32 to index
      %swap3A_80 = arith.index_cast %add3A_77 : i32 to index
      %swap3A_81 = tpu.vector_load %arg5[%swap3A_79, %swap3A_80] {strides = array<i32>} : memref<4x10000xf32, #tpu.memory_space<vmem>>, vector<16xf32>,
      tpu.vector_store %arg5[%swap3A_79, %swap3A_80], %broadcast_in_dim3A_46 {strides = array<i32>} : memref<4x10000xf32, #tpu.memory_space<vmem>>, vector<16xf32>,
      %add3A_82 = arith.constant 16 : i32
      %add3A_83 = arith.addi %add3A_45, %add3A_82 : i32
      %swap3A_84 = arith.constant 1 : i32
      %swap3A_85 = arith.index_cast %swap3A_84 : i32 to index
      %swap3A_86 = arith.index_cast %add3A_83 : i32 to index
      %swap3A_87 = tpu.vector_load %arg5[%swap3A_85, %swap3A_86] {strides = array<i32>} : memref<4x10000xf32, #tpu.memory_space<vmem>>, vector<16xf32>,
      tpu.vector_store %arg5[%swap3A_85, %swap3A_86], %broadcast_in_dim3A_46 {strides = array<i32>} : memref<4x10000xf32, #tpu.memory_space<vmem>>, vector<16xf32>,
      %add3A_88 = arith.constant 32 : i32
      %add3A_89 = arith.addi %add3A_45, %add3A_88 : i32
      %swap3A_90 = arith.constant 1 : i32
      %swap3A_91 = arith.index_cast %swap3A_90 : i32 to index
      %swap3A_92 = arith.index_cast %add3A_89 : i32 to index
      %swap3A_93 = tpu.vector_load %arg5[%swap3A_91, %swap3A_92] {strides = array<i32>} : memref<4x10000xf32, #tpu.memory_space<vmem>>, vector<16xf32>,
      tpu.vector_store %arg5[%swap3A_91, %swap3A_92], %broadcast_in_dim3A_46 {strides = array<i32>} : memref<4x10000xf32, #tpu.memory_space<vmem>>, vector<16xf32>,
      %add3A_94 = arith.constant 48 : i32
      %add3A_95 = arith.addi %add3A_45, %add3A_94 : i32
      %swap3A_96 = arith.constant 1 : i32
      %swap3A_97 = arith.index_cast %swap3A_96 : i32 to index
      %swap3A_98 = arith.index_cast %add3A_95 : i32 to index
      %swap3A_99 = tpu.vector_load %arg5[%swap3A_97, %swap3A_98] {strides = array<i32>} : memref<4x10000xf32, #tpu.memory_space<vmem>>, vector<16xf32>,
      tpu.vector_store %arg5[%swap3A_97, %swap3A_98], %broadcast_in_dim3A_46 {strides = array<i32>} : memref<4x10000xf32, #tpu.memory_space<vmem>>, vector<16xf32>,
      %add3A_100 = arith.constant 64 : i32
      %add3A_101 = arith.addi %add3A_45, %add3A_100 : i32
      %swap3A_102 = arith.constant 1 : i32
      %swap3A_103 = arith.index_cast %swap3A_102 : i32 to index
      %swap3A_104 = arith.index_cast %add3A_101 : i32 to index
      %swap3A_105 = tpu.vector_load %arg5[%swap3A_103, %swap3A_104] {strides = array<i32>} : memref<4x10000xf32, #tpu.memory_space<vmem>>, vector<16xf32>,
      tpu.vector_store %arg5[%swap3A_103, %swap3A_104], %broadcast_in_dim3A_46 {strides = array<i32>} : memref<4x10000xf32, #tpu.memory_space<vmem>>, vector<16xf32>,
      %add3A_106 = arith.constant 0 : i32
      %add3A_107 = arith.addi %add3A_45, %add3A_106 : i32
      %swap3A_108 = arith.constant 2 : i32
      %swap3A_109 = arith.index_cast %swap3A_108 : i32 to index
      %swap3A_110 = arith.index_cast %add3A_107 : i32 to index
      %swap3A_111 = tpu.vector_load %arg5[%swap3A_109, %swap3A_110] {strides = array<i32>} : memref<4x10000xf32, #tpu.memory_space<vmem>>, vector<16xf32>,
      tpu.vector_store %arg5[%swap3A_109, %swap3A_110], %broadcast_in_dim3A_46 {strides = array<i32>} : memref<4x10000xf32, #tpu.memory_space<vmem>>, vector<16xf32>,
      %add3A_112 = arith.constant 16 : i32
      %add3A_113 = arith.addi %add3A_45, %add3A_112 : i32
      %swap3A_114 = arith.constant 2 : i32
      %swap3A_115 = arith.index_cast %swap3A_114 : i32 to index
      %swap3A_116 = arith.index_cast %add3A_113 : i32 to index
      %swap3A_117 = tpu.vector_load %arg5[%swap3A_115, %swap3A_116] {strides = array<i32>} : memref<4x10000xf32, #tpu.memory_space<vmem>>, vector<16xf32>,
      tpu.vector_store %arg5[%swap3A_115, %swap3A_116], %broadcast_in_dim3A_46 {strides = array<i32>} : memref<4x10000xf32, #tpu.memory_space<vmem>>, vector<16xf32>,
      %add3A_118 = arith.constant 32 : i32
      %add3A_119 = arith.addi %add3A_45, %add3A_118 : i32
      %swap3A_120 = arith.constant 2 : i32
      %swap3A_121 = arith.index_cast %swap3A_120 : i32 to index
      %swap3A_122 = arith.index_cast %add3A_119 : i32 to index
      %swap3A_123 = tpu.vector_load %arg5[%swap3A_121, %swap3A_122] {strides = array<i32>} : memref<4x10000xf32, #tpu.memory_space<vmem>>, vector<16xf32>,
      tpu.vector_store %arg5[%swap3A_121, %swap3A_122], %broadcast_in_dim3A_46 {strides = array<i32>} : memref<4x10000xf32, #tpu.memory_space<vmem>>, vector<16xf32>,
      %add3A_124 = arith.constant 48 : i32
      %add3A_125 = arith.addi %add3A_45, %add3A_124 : i32
      %swap3A_126 = arith.constant 2 : i32
      %swap3A_127 = arith.index_cast %swap3A_126 : i32 to index
      %swap3A_128 = arith.index_cast %add3A_125 : i32 to index
      %swap3A_129 = tpu.vector_load %arg5[%swap3A_127, %swap3A_128] {strides = array<i32>} : memref<4x10000xf32, #tpu.memory_space<vmem>>, vector<16xf32>,
      tpu.vector_store %arg5[%swap3A_127, %swap3A_128], %broadcast_in_dim3A_46 {strides = array<i32>} : memref<4x10000xf32, #tpu.memory_space<vmem>>, vector<16xf32>,
      %add3A_130 = arith.constant 64 : i32
      %add3A_131 = arith.addi %add3A_45, %add3A_130 : i32
      %swap3A_132 = arith.constant 2 : i32
      %swap3A_133 = arith.index_cast %swap3A_132 : i32 to index
      %swap3A_134 = arith.index_cast %add3A_131 : i32 to index
      %swap3A_135 = tpu.vector_load %arg5[%swap3A_133, %swap3A_134] {strides = array<i32>} : memref<4x10000xf32, #tpu.memory_space<vmem>>, vector<16xf32>,
      tpu.vector_store %arg5[%swap3A_133, %swap3A_134], %broadcast_in_dim3A_46 {strides = array<i32>} : memref<4x10000xf32, #tpu.memory_space<vmem>>, vector<16xf32>,
      %add3A_136 = arith.constant 0 : i32
      %add3A_137 = arith.addi %add3A_45, %add3A_136 : i32
      %swap3A_138 = arith.constant 3 : i32
      %swap3A_139 = arith.index_cast %swap3A_138 : i32 to index
      %swap3A_140 = arith.index_cast %add3A_137 : i32 to index
      %swap3A_141 = tpu.vector_load %arg5[%swap3A_139, %swap3A_140] {strides = array<i32>} : memref<4x10000xf32, #tpu.memory_space<vmem>>, vector<16xf32>,
      tpu.vector_store %arg5[%swap3A_139, %swap3A_140], %broadcast_in_dim3A_46 {strides = array<i32>} : memref<4x10000xf32, #tpu.memory_space<vmem>>, vector<16xf32>,
      %add3A_142 = arith.constant 16 : i32
      %add3A_143 = arith.addi %add3A_45, %add3A_142 : i32
      %swap3A_144 = arith.constant 3 : i32
      %swap3A_145 = arith.index_cast %swap3A_144 : i32 to index
      %swap3A_146 = arith.index_cast %add3A_143 : i32 to index
      %swap3A_147 = tpu.vector_load %arg5[%swap3A_145, %swap3A_146] {strides = array<i32>} : memref<4x10000xf32, #tpu.memory_space<vmem>>, vector<16xf32>,
      tpu.vector_store %arg5[%swap3A_145, %swap3A_146], %broadcast_in_dim3A_46 {strides = array<i32>} : memref<4x10000xf32, #tpu.memory_space<vmem>>, vector<16xf32>,
      %add3A_148 = arith.constant 32 : i32
      %add3A_149 = arith.addi %add3A_45, %add3A_148 : i32
      %swap3A_150 = arith.constant 3 : i32
      %swap3A_151 = arith.index_cast %swap3A_150 : i32 to index
      %swap3A_152 = arith.index_cast %add3A_149 : i32 to index
      %swap3A_153 = tpu.vector_load %arg5[%swap3A_151, %swap3A_152] {strides = array<i32>} : memref<4x10000xf32, #tpu.memory_space<vmem>>, vector<16xf32>,
      tpu.vector_store %arg5[%swap3A_151, %swap3A_152], %broadcast_in_dim3A_46 {strides = array<i32>} : memref<4x10000xf32, #tpu.memory_space<vmem>>, vector<16xf32>,
      %add3A_154 = arith.constant 48 : i32
      %add3A_155 = arith.addi %add3A_45, %add3A_154 : i32
      %swap3A_156 = arith.constant 3 : i32
      %swap3A_157 = arith.index_cast %swap3A_156 : i32 to index
      %swap3A_158 = arith.index_cast %add3A_155 : i32 to index
      %swap3A_159 = tpu.vector_load %arg5[%swap3A_157, %swap3A_158] {strides = array<i32>} : memref<4x10000xf32, #tpu.memory_space<vmem>>, vector<16xf32>,
      tpu.vector_store %arg5[%swap3A_157, %swap3A_158], %broadcast_in_dim3A_46 {strides = array<i32>} : memref<4x10000xf32, #tpu.memory_space<vmem>>, vector<16xf32>,
      %add3A_160 = arith.constant 64 : i32
      %add3A_161 = arith.addi %add3A_45, %add3A_160 : i32
      %swap3A_162 = arith.constant 3 : i32
      %swap3A_163 = arith.index_cast %swap3A_162 : i32 to index
      %swap3A_164 = arith.index_cast %add3A_161 : i32 to index
      %swap3A_165 = tpu.vector_load %arg5[%swap3A_163, %swap3A_164] {strides = array<i32>} : memref<4x10000xf32, #tpu.memory_space<vmem>>, vector<16xf32>,
      tpu.vector_store %arg5[%swap3A_163, %swap3A_164], %broadcast_in_dim3A_46 {strides = array<i32>} : memref<4x10000xf32, #tpu.memory_space<vmem>>, vector<16xf32>,
    }
    %scan3A_29 = arith.constant 125 : i32
    %iota3A = tpu.iota {dimensions = array<i32: 0>} : vector<16xi32>
    %shift_right_arithmetic3A = arith.constant 2 : i32
    %shift_right_arithmetic3A_30 = vector.broadcast %shift_right_arithmetic3A : i32 to vector<16xi32>
    %shift_right_arithmetic3A_31 = arith.shrsi %iota3A, %shift_right_arithmetic3A_30 : vector<16xi32>
    %and3A = arith.constant 3 : i32
    %and3A_32 = vector.broadcast %and3A : i32 to vector<16xi32>
    %and3A_33 = arith.andi %iota3A, %and3A_32 : vector<16xi32>
    %scan3A_34 = arith.constant 0 : i32
    %scan3A_35 = arith.constant 5 : i32
    %scan3A_36 = arith.addi %scan3A_34, %scan3A_35 : i32
    %scan3A_37 = arith.constant 1 : i32
    scf.for %scan3A_41 = %scan3A_34 to %scan3A_36 step %scan3A_37  : i32 {
      %mul3A_42 = arith.constant 2 : i32
      %mul3A_43 = arith.muli %scan3A_41, %mul3A_42 : i32
      %add3A_44 = arith.constant 0 : i32
      %add3A_45 = arith.addi %add3A_44, %mul3A_43 : i32
      %dma_wait3A = arith.constant 0 : i32
      %dma_wait3A_46 = arith.constant 0 : i32
      %dma_wait3A_47 = tpu.memref_slice %arg2[%dma_wait3A, %dma_wait3A_46] : memref<2x320000xi32, #tpu.memory_space<hbm>> -> memref<1x1000xi32, #tpu.memory_space<hbm>>
      %dma_wait3A_48 = tpu.memref_squeeze %dma_wait3A_47 : memref<1x1000xi32, #tpu.memory_space<hbm>> -> memref<1000xi32, #tpu.memory_space<hbm>>
      %dma_wait3A_49 = arith.constant 0 : i32
      %dma_wait3A_50 = tpu.memref_slice %arg2[%dma_wait3A, %dma_wait3A_49] : memref<2x320000xi32, #tpu.memory_space<hbm>> -> memref<1x1000xi32, #tpu.memory_space<hbm>>
      %dma_wait3A_51 = tpu.memref_squeeze %dma_wait3A_50 : memref<1x1000xi32, #tpu.memory_space<hbm>> -> memref<1000xi32, #tpu.memory_space<hbm>>
      tpu.wait_dma2 semaphore(%arg10 : memref<!tpu.dma_semaphore, #tpu.memory_space<semaphore_mem>>) src(%dma_wait3A_51 : memref<1000xi32, #tpu.memory_space<hbm>>) dst(%arg6 : memref<1000xi32, #tpu.memory_space<vmem>>)
      %dma_wait3A_52 = arith.constant 0 : i32
      %dma_wait3A_53 = tpu.memref_slice %arg3[%dma_wait3A_52] : memref<1280000xf32, #tpu.memory_space<hbm>> -> memref<4000xf32, #tpu.memory_space<hbm>>
      %dma_wait3A_54 = arith.constant 0 : i32
      %dma_wait3A_55 = tpu.memref_slice %arg3[%dma_wait3A_54] : memref<1280000xf32, #tpu.memory_space<hbm>> -> memref<4000xf32, #tpu.memory_space<hbm>>
      tpu.wait_dma2 semaphore(%arg10 : memref<!tpu.dma_semaphore, #tpu.memory_space<semaphore_mem>>) src(%dma_wait3A_55 : memref<4000xf32, #tpu.memory_space<hbm>>) dst(%arg8 : memref<4000xf32, #tpu.memory_space<vmem>>)
      %scan3A_56 = arith.constant 0 : i32
      %scan3A_57 = arith.constant 250 : i32
      %scan3A_58 = arith.addi %scan3A_56, %scan3A_57 : i32
      %scan3A_59 = arith.constant 1 : i32
      scf.for %scan3A_92 = %scan3A_56 to %scan3A_58 step %scan3A_59  : i32 {
        %mul3A_93 = arith.constant 4 : i32
        %mul3A_94 = arith.muli %scan3A_92, %mul3A_93 : i32
        %add3A_95 = arith.constant 0 : i32
        %add3A_96 = arith.addi %add3A_95, %mul3A_94 : i32
        %add3A_97 = vector.broadcast %add3A_96 : i32 to vector<16xi32>
        %add3A_98 = arith.addi %add3A_97, %shift_right_arithmetic3A_31 : vector<16xi32>
        %gather3A = tpu.vector_load_idx %arg6[%add3A_98] : memref<1000xi32, #tpu.memory_space<vmem>>[vector<16xi32>], vector<16xi32>,
        %mul3A_99 = arith.constant 4 : i32
        %mul3A_100 = arith.muli %add3A_96, %mul3A_99 : i32
        %get3A = arith.index_cast %mul3A_100 : i32 to index
        %get3A_101 = tpu.vector_load %arg8[%get3A] {strides = array<i32>} : memref<4000xf32, #tpu.memory_space<vmem>>, vector<16xf32>,
        %eq3A = arith.constant 0 : i32
        %eq3A_102 = vector.broadcast %eq3A : i32 to vector<16xi32>
        %eq3A_103 = arith.cmpi eq, %shift_right_arithmetic3A_31, %eq3A_102 : vector<16xi32>
        tpu.vector_store_idx %arg5[%and3A_33, %gather3A], %get3A_101 masked %eq3A_103 {add = true} : memref<4x10000xf32, #tpu.memory_space<vmem>>[vector<16xi32>, vector<16xi32>], vector<16xf32>, vector<16xi1>
        %eq3A_104 = arith.constant 1 : i32
        %eq3A_105 = vector.broadcast %eq3A_104 : i32 to vector<16xi32>
        %eq3A_106 = arith.cmpi eq, %shift_right_arithmetic3A_31, %eq3A_105 : vector<16xi32>
        tpu.vector_store_idx %arg5[%and3A_33, %gather3A], %get3A_101 masked %eq3A_106 {add = true} : memref<4x10000xf32, #tpu.memory_space<vmem>>[vector<16xi32>, vector<16xi32>], vector<16xf32>, vector<16xi1>
        %eq3A_107 = arith.constant 2 : i32
        %eq3A_108 = vector.broadcast %eq3A_107 : i32 to vector<16xi32>
        %eq3A_109 = arith.cmpi eq, %shift_right_arithmetic3A_31, %eq3A_108 : vector<16xi32>
        tpu.vector_store_idx %arg5[%and3A_33, %gather3A], %get3A_101 masked %eq3A_109 {add = true} : memref<4x10000xf32, #tpu.memory_space<vmem>>[vector<16xi32>, vector<16xi32>], vector<16xf32>, vector<16xi1>
        %eq3A_110 = arith.constant 3 : i32
        %eq3A_111 = vector.broadcast %eq3A_110 : i32 to vector<16xi32>
        %eq3A_112 = arith.cmpi eq, %shift_right_arithmetic3A_31, %eq3A_111 : vector<16xi32>
        tpu.vector_store_idx %arg5[%and3A_33, %gather3A], %get3A_101 masked %eq3A_112 {add = true} : memref<4x10000xf32, #tpu.memory_space<vmem>>[vector<16xi32>, vector<16xi32>], vector<16xf32>, vector<16xi1>
      }
      %scan3A_60 = arith.constant 250 : i32
      %add3A_61 = arith.constant 2 : i32
      %add3A_62 = arith.addi %add3A_45, %add3A_61 : i32
      %add3A_63 = arith.constant 0 : i32
      %add3A_64 = arith.addi %add3A_62, %add3A_63 : i32
      %lt3A = arith.constant 10 : i32
      %lt3A_65 = arith.cmpi slt, %add3A_64, %lt3A : i32
      %convert_element_type3A = arith.extui %lt3A_65 : i1 to i32
      %cond3A = arith.constant 0 : i32
      %cond3A_66 = arith.cmpi ne, %convert_element_type3A, %cond3A : i32
      scf.if %cond3A_66 {
        %add3A_92 = arith.constant 2 : i32
        %add3A_93 = arith.addi %add3A_45, %add3A_92 : i32
        %add3A_94 = arith.constant 0 : i32
        %add3A_95 = arith.addi %add3A_93, %add3A_94 : i32
        %mul3A_96 = arith.constant 10000 : i32
        %mul3A_97 = arith.muli %add3A, %mul3A_96 : i32
        %mul3A_98 = arith.constant 1000 : i32
        %mul3A_99 = arith.muli %add3A_95, %mul3A_98 : i32
        %add3A_100 = arith.addi %mul3A_97, %mul3A_99 : i32
        %dma_start3A_101 = arith.constant 0 : i32
        %dma_start3A_102 = tpu.memref_slice %arg2[%dma_start3A_101, %add3A_100] : memref<2x320000xi32, #tpu.memory_space<hbm>> -> memref<1x1000xi32, #tpu.memory_space<hbm>>
        %dma_start3A_103 = tpu.memref_squeeze %dma_start3A_102 : memref<1x1000xi32, #tpu.memory_space<hbm>> -> memref<1000xi32, #tpu.memory_space<hbm>>
        %dma_start3A_104 = tpu.memref_slice %arg2[%dma_start3A_101, %add3A_100] : memref<2x320000xi32, #tpu.memory_space<hbm>> -> memref<1x1000xi32, #tpu.memory_space<hbm>>
        %dma_start3A_105 = tpu.memref_squeeze %dma_start3A_104 : memref<1x1000xi32, #tpu.memory_space<hbm>> -> memref<1000xi32, #tpu.memory_space<hbm>>
        tpu.enqueue_dma source(%dma_start3A_105 : memref<1000xi32, #tpu.memory_space<hbm>>) target(%arg6 : memref<1000xi32, #tpu.memory_space<vmem>>) target_semaphore(%arg10 : memref<!tpu.dma_semaphore, #tpu.memory_space<semaphore_mem>>)
        %mul3A_106 = arith.constant 4 : i32
        %mul3A_107 = arith.muli %add3A_100, %mul3A_106 : i32
        %dma_start3A_108 = tpu.memref_slice %arg3[%mul3A_107] : memref<1280000xf32, #tpu.memory_space<hbm>> -> memref<4000xf32, #tpu.memory_space<hbm>>
        %dma_start3A_109 = tpu.memref_slice %arg3[%mul3A_107] : memref<1280000xf32, #tpu.memory_space<hbm>> -> memref<4000xf32, #tpu.memory_space<hbm>>
        tpu.enqueue_dma source(%dma_start3A_109 : memref<4000xf32, #tpu.memory_space<hbm>>) target(%arg8 : memref<4000xf32, #tpu.memory_space<vmem>>) target_semaphore(%arg10 : memref<!tpu.dma_semaphore, #tpu.memory_space<semaphore_mem>>)
      } else {
      }
      %dma_wait3A_67 = arith.constant 0 : i32
      %dma_wait3A_68 = arith.constant 0 : i32
      %dma_wait3A_69 = tpu.memref_slice %arg2[%dma_wait3A_67, %dma_wait3A_68] : memref<2x320000xi32, #tpu.memory_space<hbm>> -> memref<1x1000xi32, #tpu.memory_space<hbm>>
      %dma_wait3A_70 = tpu.memref_squeeze %dma_wait3A_69 : memref<1x1000xi32, #tpu.memory_space<hbm>> -> memref<1000xi32, #tpu.memory_space<hbm>>
      %dma_wait3A_71 = arith.constant 0 : i32
      %dma_wait3A_72 = tpu.memref_slice %arg2[%dma_wait3A_67, %dma_wait3A_71] : memref<2x320000xi32, #tpu.memory_space<hbm>> -> memref<1x1000xi32, #tpu.memory_space<hbm>>
      %dma_wait3A_73 = tpu.memref_squeeze %dma_wait3A_72 : memref<1x1000xi32, #tpu.memory_space<hbm>> -> memref<1000xi32, #tpu.memory_space<hbm>>
      tpu.wait_dma2 semaphore(%arg11 : memref<!tpu.dma_semaphore, #tpu.memory_space<semaphore_mem>>) src(%dma_wait3A_73 : memref<1000xi32, #tpu.memory_space<hbm>>) dst(%arg7 : memref<1000xi32, #tpu.memory_space<vmem>>)
      %dma_wait3A_74 = arith.constant 0 : i32
      %dma_wait3A_75 = tpu.memref_slice %arg3[%dma_wait3A_74] : memref<1280000xf32, #tpu.memory_space<hbm>> -> memref<4000xf32, #tpu.memory_space<hbm>>
      %dma_wait3A_76 = arith.constant 0 : i32
      %dma_wait3A_77 = tpu.memref_slice %arg3[%dma_wait3A_76] : memref<1280000xf32, #tpu.memory_space<hbm>> -> memref<4000xf32, #tpu.memory_space<hbm>>
      tpu.wait_dma2 semaphore(%arg11 : memref<!tpu.dma_semaphore, #tpu.memory_space<semaphore_mem>>) src(%dma_wait3A_77 : memref<4000xf32, #tpu.memory_space<hbm>>) dst(%arg9 : memref<4000xf32, #tpu.memory_space<vmem>>)
      %scan3A_78 = arith.constant 0 : i32
      %scan3A_79 = arith.constant 250 : i32
      %scan3A_80 = arith.addi %scan3A_78, %scan3A_79 : i32
      %scan3A_81 = arith.constant 1 : i32
      scf.for %scan3A_92 = %scan3A_78 to %scan3A_80 step %scan3A_81  : i32 {
        %mul3A_93 = arith.constant 4 : i32
        %mul3A_94 = arith.muli %scan3A_92, %mul3A_93 : i32
        %add3A_95 = arith.constant 0 : i32
        %add3A_96 = arith.addi %add3A_95, %mul3A_94 : i32
        %add3A_97 = vector.broadcast %add3A_96 : i32 to vector<16xi32>
        %add3A_98 = arith.addi %add3A_97, %shift_right_arithmetic3A_31 : vector<16xi32>
        %gather3A = tpu.vector_load_idx %arg7[%add3A_98] : memref<1000xi32, #tpu.memory_space<vmem>>[vector<16xi32>], vector<16xi32>,
        %mul3A_99 = arith.constant 4 : i32
        %mul3A_100 = arith.muli %add3A_96, %mul3A_99 : i32
        %get3A = arith.index_cast %mul3A_100 : i32 to index
        %get3A_101 = tpu.vector_load %arg9[%get3A] {strides = array<i32>} : memref<4000xf32, #tpu.memory_space<vmem>>, vector<16xf32>,
        %eq3A = arith.constant 0 : i32
        %eq3A_102 = vector.broadcast %eq3A : i32 to vector<16xi32>
        %eq3A_103 = arith.cmpi eq, %shift_right_arithmetic3A_31, %eq3A_102 : vector<16xi32>
        tpu.vector_store_idx %arg5[%and3A_33, %gather3A], %get3A_101 masked %eq3A_103 {add = true} : memref<4x10000xf32, #tpu.memory_space<vmem>>[vector<16xi32>, vector<16xi32>], vector<16xf32>, vector<16xi1>
        %eq3A_104 = arith.constant 1 : i32
        %eq3A_105 = vector.broadcast %eq3A_104 : i32 to vector<16xi32>
        %eq3A_106 = arith.cmpi eq, %shift_right_arithmetic3A_31, %eq3A_105 : vector<16xi32>
        tpu.vector_store_idx %arg5[%and3A_33, %gather3A], %get3A_101 masked %eq3A_106 {add = true} : memref<4x10000xf32, #tpu.memory_space<vmem>>[vector<16xi32>, vector<16xi32>], vector<16xf32>, vector<16xi1>
        %eq3A_107 = arith.constant 2 : i32
        %eq3A_108 = vector.broadcast %eq3A_107 : i32 to vector<16xi32>
        %eq3A_109 = arith.cmpi eq, %shift_right_arithmetic3A_31, %eq3A_108 : vector<16xi32>
        tpu.vector_store_idx %arg5[%and3A_33, %gather3A], %get3A_101 masked %eq3A_109 {add = true} : memref<4x10000xf32, #tpu.memory_space<vmem>>[vector<16xi32>, vector<16xi32>], vector<16xf32>, vector<16xi1>
        %eq3A_110 = arith.constant 3 : i32
        %eq3A_111 = vector.broadcast %eq3A_110 : i32 to vector<16xi32>
        %eq3A_112 = arith.cmpi eq, %shift_right_arithmetic3A_31, %eq3A_111 : vector<16xi32>
        tpu.vector_store_idx %arg5[%and3A_33, %gather3A], %get3A_101 masked %eq3A_112 {add = true} : memref<4x10000xf32, #tpu.memory_space<vmem>>[vector<16xi32>, vector<16xi32>], vector<16xf32>, vector<16xi1>
      }
      %scan3A_82 = arith.constant 250 : i32
      %add3A_83 = arith.constant 2 : i32
      %add3A_84 = arith.addi %add3A_45, %add3A_83 : i32
      %add3A_85 = arith.constant 1 : i32
      %add3A_86 = arith.addi %add3A_84, %add3A_85 : i32
      %lt3A_87 = arith.constant 10 : i32
      %lt3A_88 = arith.cmpi slt, %add3A_86, %lt3A_87 : i32
      %convert_element_type3A_89 = arith.extui %lt3A_88 : i1 to i32
      %cond3A_90 = arith.constant 0 : i32
      %cond3A_91 = arith.cmpi ne, %convert_element_type3A_89, %cond3A_90 : i32
      scf.if %cond3A_91 {
        %add3A_92 = arith.constant 2 : i32
        %add3A_93 = arith.addi %add3A_45, %add3A_92 : i32
        %add3A_94 = arith.constant 1 : i32
        %add3A_95 = arith.addi %add3A_93, %add3A_94 : i32
        %mul3A_96 = arith.constant 10000 : i32
        %mul3A_97 = arith.muli %add3A, %mul3A_96 : i32
        %mul3A_98 = arith.constant 1000 : i32
        %mul3A_99 = arith.muli %add3A_95, %mul3A_98 : i32
        %add3A_100 = arith.addi %mul3A_97, %mul3A_99 : i32
        %dma_start3A_101 = arith.constant 0 : i32
        %dma_start3A_102 = tpu.memref_slice %arg2[%dma_start3A_101, %add3A_100] : memref<2x320000xi32, #tpu.memory_space<hbm>> -> memref<1x1000xi32, #tpu.memory_space<hbm>>
        %dma_start3A_103 = tpu.memref_squeeze %dma_start3A_102 : memref<1x1000xi32, #tpu.memory_space<hbm>> -> memref<1000xi32, #tpu.memory_space<hbm>>
        %dma_start3A_104 = tpu.memref_slice %arg2[%dma_start3A_101, %add3A_100] : memref<2x320000xi32, #tpu.memory_space<hbm>> -> memref<1x1000xi32, #tpu.memory_space<hbm>>
        %dma_start3A_105 = tpu.memref_squeeze %dma_start3A_104 : memref<1x1000xi32, #tpu.memory_space<hbm>> -> memref<1000xi32, #tpu.memory_space<hbm>>
        tpu.enqueue_dma source(%dma_start3A_105 : memref<1000xi32, #tpu.memory_space<hbm>>) target(%arg7 : memref<1000xi32, #tpu.memory_space<vmem>>) target_semaphore(%arg11 : memref<!tpu.dma_semaphore, #tpu.memory_space<semaphore_mem>>)
        %mul3A_106 = arith.constant 4 : i32
        %mul3A_107 = arith.muli %add3A_100, %mul3A_106 : i32
        %dma_start3A_108 = tpu.memref_slice %arg3[%mul3A_107] : memref<1280000xf32, #tpu.memory_space<hbm>> -> memref<4000xf32, #tpu.memory_space<hbm>>
        %dma_start3A_109 = tpu.memref_slice %arg3[%mul3A_107] : memref<1280000xf32, #tpu.memory_space<hbm>> -> memref<4000xf32, #tpu.memory_space<hbm>>
        tpu.enqueue_dma source(%dma_start3A_109 : memref<4000xf32, #tpu.memory_space<hbm>>) target(%arg9 : memref<4000xf32, #tpu.memory_space<vmem>>) target_semaphore(%arg11 : memref<!tpu.dma_semaphore, #tpu.memory_space<semaphore_mem>>)
      } else {
      }
    }
    %scan3A_38 = arith.constant 5 : i32
    %mul3A_39 = arith.constant 4 : i32
    %mul3A_40 = arith.muli %mul3A_39, %add3A : i32
    "tpu.region"() ({
      %run_scoped3A = tpu.sem_alloc : memref<!tpu.dma_semaphore, #tpu.memory_space<semaphore_mem>>
      %dma_start3A_41 = arith.constant 0 : i32
      %dma_start3A_42 = tpu.memref_slice %arg4[%mul3A_40, %dma_start3A_41] : memref<128x10000xf32, #tpu.memory_space<hbm>> -> memref<4x10000xf32, #tpu.memory_space<hbm>>
      %dma_start3A_43 = arith.constant 0 : i32
      %dma_start3A_44 = tpu.memref_slice %arg4[%mul3A_40, %dma_start3A_43] : memref<128x10000xf32, #tpu.memory_space<hbm>> -> memref<4x10000xf32, #tpu.memory_space<hbm>>
      tpu.enqueue_dma source(%arg5 : memref<4x10000xf32, #tpu.memory_space<vmem>>) target(%dma_start3A_44 : memref<4x10000xf32, #tpu.memory_space<hbm>>) target_semaphore(%run_scoped3A : memref<!tpu.dma_semaphore, #tpu.memory_space<semaphore_mem>>)
      %dma_wait3A = arith.constant 0 : i32
      %dma_wait3A_45 = tpu.memref_slice %arg4[%mul3A_40, %dma_wait3A] : memref<128x10000xf32, #tpu.memory_space<hbm>> -> memref<4x10000xf32, #tpu.memory_space<hbm>>
      %dma_wait3A_46 = arith.constant 0 : i32
      %dma_wait3A_47 = tpu.memref_slice %arg4[%mul3A_40, %dma_wait3A_46] : memref<128x10000xf32, #tpu.memory_space<hbm>> -> memref<4x10000xf32, #tpu.memory_space<hbm>>
      tpu.wait_dma2 semaphore(%run_scoped3A : memref<!tpu.dma_semaphore, #tpu.memory_space<semaphore_mem>>) src(%arg5 : memref<4x10000xf32, #tpu.memory_space<vmem>>) dst(%dma_wait3A_47 : memref<4x10000xf32, #tpu.memory_space<hbm>>)
      tpu.yield
    }) : () -> ()
    return
  }
}

#map = affine_map<(d0, d1) -> (0, 0)>
module attributes {stable_mosaic.version = 14 : i64} {
  func.func @k(%arg0: i32, %arg1: i32, %arg2: memref<10000x32xf32, #tpu.memory_space<hbm>>, %arg3: memref<10000x32xf32, #tpu.memory_space<hbm>>, %arg4: memref<2x320000xi32, #tpu.memory_space<hbm>>, %arg5: memref<80000x128xf32, #tpu.memory_space<hbm>>, %arg6: memref<10000xi32, #tpu.memory_space<vmem>>, %arg7: memref<10000xi32, #tpu.memory_space<vmem>>, %arg8: memref<80x32xf32, #tpu.memory_space<vmem>>, %arg9: memref<80x32xf32, #tpu.memory_space<vmem>>, %arg10: memref<80x32xf32, #tpu.memory_space<vmem>>, %arg11: memref<80x32xf32, #tpu.memory_space<vmem>>, %arg12: memref<20x128xf32, #tpu.memory_space<vmem>>, %arg13: memref<20x128xf32, #tpu.memory_space<vmem>>, %arg14: memref<!tpu.dma_semaphore, #tpu.memory_space<semaphore_mem>>, %arg15: memref<!tpu.dma_semaphore, #tpu.memory_space<semaphore_mem>>, %arg16: memref<!tpu.dma_semaphore, #tpu.memory_space<semaphore_mem>>, %arg17: memref<!tpu.dma_semaphore, #tpu.memory_space<semaphore_mem>>, %arg18: memref<!tpu.dma_semaphore, #tpu.memory_space<semaphore_mem>>, %arg19: memref<!tpu.dma_semaphore, #tpu.memory_space<semaphore_mem>>) attributes {dimension_semantics = [#tpu.dimension_semantics<core_parallel>, #tpu.dimension_semantics<subcore_parallel>], iteration_bounds = array<i64: 2, 16>, scalar_prefetch = 0 : i64, scratch_operands = 14 : i64, tpu.core_type = #tpu.core_type<sc_vector_subcore>, window_params = [{transform_indices = #map}, {transform_indices = #map}, {transform_indices = #map}, {transform_indices = #map}]} {
    %mul3A = arith.constant 2 : i32
    %mul3A_0 = arith.muli %arg1, %mul3A : i32
    %add3A = arith.addi %mul3A_0, %arg0 : i32
    %mul3A_1 = arith.constant 10000 : i32
    %mul3A_2 = arith.muli %add3A, %mul3A_1 : i32
    %mul3A_3 = arith.constant 2500 : i32
    %mul3A_4 = arith.muli %add3A, %mul3A_3 : i32
    %run_scoped3A = arith.constant 0 : i32
    "tpu.region"() ({
      %run_scoped3A_67 = tpu.sem_alloc : memref<!tpu.dma_semaphore, #tpu.memory_space<semaphore_mem>>
      %dma_start3A_68 = tpu.memref_slice %arg4[%run_scoped3A, %mul3A_2] : memref<2x320000xi32, #tpu.memory_space<hbm>> -> memref<1x10000xi32, #tpu.memory_space<hbm>>
      %dma_start3A_69 = tpu.memref_squeeze %dma_start3A_68 : memref<1x10000xi32, #tpu.memory_space<hbm>> -> memref<10000xi32, #tpu.memory_space<hbm>>
      %dma_start3A_70 = tpu.memref_slice %arg4[%run_scoped3A, %mul3A_2] : memref<2x320000xi32, #tpu.memory_space<hbm>> -> memref<1x10000xi32, #tpu.memory_space<hbm>>
      %dma_start3A_71 = tpu.memref_squeeze %dma_start3A_70 : memref<1x10000xi32, #tpu.memory_space<hbm>> -> memref<10000xi32, #tpu.memory_space<hbm>>
      tpu.enqueue_dma source(%dma_start3A_71 : memref<10000xi32, #tpu.memory_space<hbm>>) target(%arg6 : memref<10000xi32, #tpu.memory_space<vmem>>) target_semaphore(%run_scoped3A_67 : memref<!tpu.dma_semaphore, #tpu.memory_space<semaphore_mem>>)
      %dma_wait3A_72 = tpu.memref_slice %arg4[%run_scoped3A, %mul3A_2] : memref<2x320000xi32, #tpu.memory_space<hbm>> -> memref<1x10000xi32, #tpu.memory_space<hbm>>
      %dma_wait3A_73 = tpu.memref_squeeze %dma_wait3A_72 : memref<1x10000xi32, #tpu.memory_space<hbm>> -> memref<10000xi32, #tpu.memory_space<hbm>>
      %dma_wait3A_74 = tpu.memref_slice %arg4[%run_scoped3A, %mul3A_2] : memref<2x320000xi32, #tpu.memory_space<hbm>> -> memref<1x10000xi32, #tpu.memory_space<hbm>>
      %dma_wait3A_75 = tpu.memref_squeeze %dma_wait3A_74 : memref<1x10000xi32, #tpu.memory_space<hbm>> -> memref<10000xi32, #tpu.memory_space<hbm>>
      tpu.wait_dma2 semaphore(%run_scoped3A_67 : memref<!tpu.dma_semaphore, #tpu.memory_space<semaphore_mem>>) src(%dma_wait3A_75 : memref<10000xi32, #tpu.memory_space<hbm>>) dst(%arg6 : memref<10000xi32, #tpu.memory_space<vmem>>)
      tpu.yield
    }) : () -> ()
    %run_scoped3A_5 = arith.constant 1 : i32
    "tpu.region"() ({
      %run_scoped3A_67 = tpu.sem_alloc : memref<!tpu.dma_semaphore, #tpu.memory_space<semaphore_mem>>
      %dma_start3A_68 = tpu.memref_slice %arg4[%run_scoped3A_5, %mul3A_2] : memref<2x320000xi32, #tpu.memory_space<hbm>> -> memref<1x10000xi32, #tpu.memory_space<hbm>>
      %dma_start3A_69 = tpu.memref_squeeze %dma_start3A_68 : memref<1x10000xi32, #tpu.memory_space<hbm>> -> memref<10000xi32, #tpu.memory_space<hbm>>
      %dma_start3A_70 = tpu.memref_slice %arg4[%run_scoped3A_5, %mul3A_2] : memref<2x320000xi32, #tpu.memory_space<hbm>> -> memref<1x10000xi32, #tpu.memory_space<hbm>>
      %dma_start3A_71 = tpu.memref_squeeze %dma_start3A_70 : memref<1x10000xi32, #tpu.memory_space<hbm>> -> memref<10000xi32, #tpu.memory_space<hbm>>
      tpu.enqueue_dma source(%dma_start3A_71 : memref<10000xi32, #tpu.memory_space<hbm>>) target(%arg7 : memref<10000xi32, #tpu.memory_space<vmem>>) target_semaphore(%run_scoped3A_67 : memref<!tpu.dma_semaphore, #tpu.memory_space<semaphore_mem>>)
      %dma_wait3A_72 = tpu.memref_slice %arg4[%run_scoped3A_5, %mul3A_2] : memref<2x320000xi32, #tpu.memory_space<hbm>> -> memref<1x10000xi32, #tpu.memory_space<hbm>>
      %dma_wait3A_73 = tpu.memref_squeeze %dma_wait3A_72 : memref<1x10000xi32, #tpu.memory_space<hbm>> -> memref<10000xi32, #tpu.memory_space<hbm>>
      %dma_wait3A_74 = tpu.memref_slice %arg4[%run_scoped3A_5, %mul3A_2] : memref<2x320000xi32, #tpu.memory_space<hbm>> -> memref<1x10000xi32, #tpu.memory_space<hbm>>
      %dma_wait3A_75 = tpu.memref_squeeze %dma_wait3A_74 : memref<1x10000xi32, #tpu.memory_space<hbm>> -> memref<10000xi32, #tpu.memory_space<hbm>>
      tpu.wait_dma2 semaphore(%run_scoped3A_67 : memref<!tpu.dma_semaphore, #tpu.memory_space<semaphore_mem>>) src(%dma_wait3A_75 : memref<10000xi32, #tpu.memory_space<hbm>>) dst(%arg7 : memref<10000xi32, #tpu.memory_space<vmem>>)
      tpu.yield
    }) : () -> ()
    %dma_start3A = arith.constant 0 : i32
    %dma_start3A_6 = tpu.memref_slice %arg6[%dma_start3A] : memref<10000xi32, #tpu.memory_space<vmem>> -> memref<80xi32, #tpu.memory_space<vmem>>
    %dma_start3A_7 = arith.constant 0 : i32
    %dma_start3A_8 = arith.constant 0 : i32
    %dma_start3A_9 = tpu.memref_slice %arg2[%dma_start3A_7, %dma_start3A_8] : memref<10000x32xf32, #tpu.memory_space<hbm>> -> memref<10000x32xf32, #tpu.memory_space<hbm>>
    tpu.enqueue_indirect_dma source(%dma_start3A_9 : memref<10000x32xf32, #tpu.memory_space<hbm>>) target(%arg8 : memref<80x32xf32, #tpu.memory_space<vmem>>) offsets(%dma_start3A_6 : memref<80xi32, #tpu.memory_space<vmem>>) semaphore(%arg14 : memref<!tpu.dma_semaphore, #tpu.memory_space<semaphore_mem>>)
    %dma_start3A_10 = arith.constant 0 : i32
    %dma_start3A_11 = tpu.memref_slice %arg7[%dma_start3A_10] : memref<10000xi32, #tpu.memory_space<vmem>> -> memref<80xi32, #tpu.memory_space<vmem>>
    %dma_start3A_12 = arith.constant 0 : i32
    %dma_start3A_13 = arith.constant 0 : i32
    %dma_start3A_14 = tpu.memref_slice %arg3[%dma_start3A_12, %dma_start3A_13] : memref<10000x32xf32, #tpu.memory_space<hbm>> -> memref<10000x32xf32, #tpu.memory_space<hbm>>
    tpu.enqueue_indirect_dma source(%dma_start3A_14 : memref<10000x32xf32, #tpu.memory_space<hbm>>) target(%arg10 : memref<80x32xf32, #tpu.memory_space<vmem>>) offsets(%dma_start3A_11 : memref<80xi32, #tpu.memory_space<vmem>>) semaphore(%arg16 : memref<!tpu.dma_semaphore, #tpu.memory_space<semaphore_mem>>)
    %dma_start3A_15 = arith.constant 80 : i32
    %dma_start3A_16 = tpu.memref_slice %arg6[%dma_start3A_15] : memref<10000xi32, #tpu.memory_space<vmem>> -> memref<80xi32, #tpu.memory_space<vmem>>
    %dma_start3A_17 = arith.constant 0 : i32
    %dma_start3A_18 = arith.constant 0 : i32
    %dma_start3A_19 = tpu.memref_slice %arg2[%dma_start3A_17, %dma_start3A_18] : memref<10000x32xf32, #tpu.memory_space<hbm>> -> memref<10000x32xf32, #tpu.memory_space<hbm>>
    tpu.enqueue_indirect_dma source(%dma_start3A_19 : memref<10000x32xf32, #tpu.memory_space<hbm>>) target(%arg9 : memref<80x32xf32, #tpu.memory_space<vmem>>) offsets(%dma_start3A_16 : memref<80xi32, #tpu.memory_space<vmem>>) semaphore(%arg15 : memref<!tpu.dma_semaphore, #tpu.memory_space<semaphore_mem>>)
    %dma_start3A_20 = arith.constant 80 : i32
    %dma_start3A_21 = tpu.memref_slice %arg7[%dma_start3A_20] : memref<10000xi32, #tpu.memory_space<vmem>> -> memref<80xi32, #tpu.memory_space<vmem>>
    %dma_start3A_22 = arith.constant 0 : i32
    %dma_start3A_23 = arith.constant 0 : i32
    %dma_start3A_24 = tpu.memref_slice %arg3[%dma_start3A_22, %dma_start3A_23] : memref<10000x32xf32, #tpu.memory_space<hbm>> -> memref<10000x32xf32, #tpu.memory_space<hbm>>
    tpu.enqueue_indirect_dma source(%dma_start3A_24 : memref<10000x32xf32, #tpu.memory_space<hbm>>) target(%arg11 : memref<80x32xf32, #tpu.memory_space<vmem>>) offsets(%dma_start3A_21 : memref<80xi32, #tpu.memory_space<vmem>>) semaphore(%arg17 : memref<!tpu.dma_semaphore, #tpu.memory_space<semaphore_mem>>)
    %scan3A = arith.constant 0 : i32
    %scan3A_25 = arith.constant 62 : i32
    %scan3A_26 = arith.addi %scan3A, %scan3A_25 : i32
    %scan3A_27 = arith.constant 1 : i32
    scf.for %scan3A_67 = %scan3A to %scan3A_26 step %scan3A_27  : i32 {
      %mul3A_68 = arith.constant 2 : i32
      %mul3A_69 = arith.muli %scan3A_67, %mul3A_68 : i32
      %add3A_70 = arith.constant 0 : i32
      %add3A_71 = arith.addi %add3A_70, %mul3A_69 : i32
      %dma_wait3A_72 = arith.constant 0 : i32
      %dma_wait3A_73 = tpu.memref_slice %arg6[%dma_wait3A_72] : memref<10000xi32, #tpu.memory_space<vmem>> -> memref<80xi32, #tpu.memory_space<vmem>>
      %dma_wait3A_74 = arith.constant 0 : i32
      %dma_wait3A_75 = arith.constant 0 : i32
      %dma_wait3A_76 = tpu.memref_slice %arg2[%dma_wait3A_74, %dma_wait3A_75] : memref<10000x32xf32, #tpu.memory_space<hbm>> -> memref<10000x32xf32, #tpu.memory_space<hbm>>
      tpu.wait_indirect_dma semaphore(%arg14 : memref<!tpu.dma_semaphore, #tpu.memory_space<semaphore_mem>>) src(%dma_wait3A_76 : memref<10000x32xf32, #tpu.memory_space<hbm>>) dst(%arg8 : memref<80x32xf32, #tpu.memory_space<vmem>>)
      %dma_wait3A_77 = arith.constant 0 : i32
      %dma_wait3A_78 = tpu.memref_slice %arg7[%dma_wait3A_77] : memref<10000xi32, #tpu.memory_space<vmem>> -> memref<80xi32, #tpu.memory_space<vmem>>
      %dma_wait3A_79 = arith.constant 0 : i32
      %dma_wait3A_80 = arith.constant 0 : i32
      %dma_wait3A_81 = tpu.memref_slice %arg3[%dma_wait3A_79, %dma_wait3A_80] : memref<10000x32xf32, #tpu.memory_space<hbm>> -> memref<10000x32xf32, #tpu.memory_space<hbm>>
      tpu.wait_indirect_dma semaphore(%arg16 : memref<!tpu.dma_semaphore, #tpu.memory_space<semaphore_mem>>) src(%dma_wait3A_81 : memref<10000x32xf32, #tpu.memory_space<hbm>>) dst(%arg10 : memref<80x32xf32, #tpu.memory_space<vmem>>)
      %ge3A = arith.constant 2 : i32
      %ge3A_82 = arith.cmpi sge, %add3A_71, %ge3A : i32
      %convert_element_type3A = arith.extui %ge3A_82 : i1 to i32
      %cond3A = arith.constant 0 : i32
      %cond3A_83 = arith.cmpi ne, %convert_element_type3A, %cond3A : i32
      scf.if %cond3A_83 {
        %dma_wait3A_144 = arith.constant 0 : i32
        %dma_wait3A_145 = arith.constant 0 : i32
        %dma_wait3A_146 = tpu.memref_slice %arg5[%dma_wait3A_144, %dma_wait3A_145] : memref<80000x128xf32, #tpu.memory_space<hbm>> -> memref<20x128xf32, #tpu.memory_space<hbm>>
        %dma_wait3A_147 = arith.constant 0 : i32
        %dma_wait3A_148 = arith.constant 0 : i32
        %dma_wait3A_149 = tpu.memref_slice %arg5[%dma_wait3A_147, %dma_wait3A_148] : memref<80000x128xf32, #tpu.memory_space<hbm>> -> memref<20x128xf32, #tpu.memory_space<hbm>>
        tpu.wait_dma2 semaphore(%arg18 : memref<!tpu.dma_semaphore, #tpu.memory_space<semaphore_mem>>) src(%arg12 : memref<20x128xf32, #tpu.memory_space<vmem>>) dst(%dma_wait3A_149 : memref<20x128xf32, #tpu.memory_space<hbm>>)
      } else {
      }
      %scan3A_84 = arith.constant 0 : i32
      %scan3A_85 = arith.constant 20 : i32
      %scan3A_86 = arith.addi %scan3A_84, %scan3A_85 : i32
      %scan3A_87 = arith.constant 1 : i32
      scf.for %scan3A_144 = %scan3A_84 to %scan3A_86 step %scan3A_87  : i32 {
        %mul3A_145 = arith.constant 1 : i32
        %mul3A_146 = arith.muli %scan3A_144, %mul3A_145 : i32
        %add3A_147 = arith.constant 0 : i32
        %add3A_148 = arith.addi %add3A_147, %mul3A_146 : i32
        %mul3A_149 = arith.constant 4 : i32
        %mul3A_150 = arith.muli %mul3A_149, %add3A_148 : i32
        %add3A_151 = arith.constant 0 : i32
        %add3A_152 = arith.addi %mul3A_150, %add3A_151 : i32
        %get3A = arith.index_cast %add3A_152 : i32 to index
        %get3A_153 = arith.constant 0 : index
        %get3A_154 = tpu.vector_load %arg8[%get3A, %get3A_153] {strides = array<i32>} : memref<80x32xf32, #tpu.memory_space<vmem>>, vector<1x16xf32>,
        %get3A_155 = vector.shape_cast %get3A_154 : vector<1x16xf32> to vector<16xf32>
        %mul3A_156 = arith.constant 4 : i32
        %mul3A_157 = arith.muli %mul3A_156, %add3A_148 : i32
        %add3A_158 = arith.constant 0 : i32
        %add3A_159 = arith.addi %mul3A_157, %add3A_158 : i32
        %get3A_160 = arith.index_cast %add3A_159 : i32 to index
        %get3A_161 = arith.constant 0 : index
        %get3A_162 = tpu.vector_load %arg10[%get3A_160, %get3A_161] {strides = array<i32>} : memref<80x32xf32, #tpu.memory_space<vmem>>, vector<1x16xf32>,
        %get3A_163 = vector.shape_cast %get3A_162 : vector<1x16xf32> to vector<16xf32>
        %add3A_164 = arith.addf %get3A_155, %get3A_163 : vector<16xf32>
        %swap3A = arith.index_cast %add3A_148 : i32 to index
        %swap3A_165 = arith.constant 0 : index
        %swap3A_166 = tpu.vector_load %arg12[%swap3A, %swap3A_165] {strides = array<i32>} : memref<20x128xf32, #tpu.memory_space<vmem>>, vector<1x16xf32>,
        %swap3A_167 = vector.shape_cast %swap3A_166 : vector<1x16xf32> to vector<16xf32>
        %swap3A_168 = vector.shape_cast %add3A_164 : vector<16xf32> to vector<1x16xf32>
        tpu.vector_store %arg12[%swap3A, %swap3A_165], %swap3A_168 {strides = array<i32>} : memref<20x128xf32, #tpu.memory_space<vmem>>, vector<1x16xf32>,
        %mul3A_169 = arith.constant 4 : i32
        %mul3A_170 = arith.muli %mul3A_169, %add3A_148 : i32
        %add3A_171 = arith.constant 0 : i32
        %add3A_172 = arith.addi %mul3A_170, %add3A_171 : i32
        %get3A_173 = arith.index_cast %add3A_172 : i32 to index
        %get3A_174 = arith.constant 16 : index
        %get3A_175 = tpu.vector_load %arg8[%get3A_173, %get3A_174] {strides = array<i32>} : memref<80x32xf32, #tpu.memory_space<vmem>>, vector<1x16xf32>,
        %get3A_176 = vector.shape_cast %get3A_175 : vector<1x16xf32> to vector<16xf32>
        %mul3A_177 = arith.constant 4 : i32
        %mul3A_178 = arith.muli %mul3A_177, %add3A_148 : i32
        %add3A_179 = arith.constant 0 : i32
        %add3A_180 = arith.addi %mul3A_178, %add3A_179 : i32
        %get3A_181 = arith.index_cast %add3A_180 : i32 to index
        %get3A_182 = arith.constant 16 : index
        %get3A_183 = tpu.vector_load %arg10[%get3A_181, %get3A_182] {strides = array<i32>} : memref<80x32xf32, #tpu.memory_space<vmem>>, vector<1x16xf32>,
        %get3A_184 = vector.shape_cast %get3A_183 : vector<1x16xf32> to vector<16xf32>
        %add3A_185 = arith.addf %get3A_176, %get3A_184 : vector<16xf32>
        %swap3A_186 = arith.index_cast %add3A_148 : i32 to index
        %swap3A_187 = arith.constant 16 : index
        %swap3A_188 = tpu.vector_load %arg12[%swap3A_186, %swap3A_187] {strides = array<i32>} : memref<20x128xf32, #tpu.memory_space<vmem>>, vector<1x16xf32>,
        %swap3A_189 = vector.shape_cast %swap3A_188 : vector<1x16xf32> to vector<16xf32>
        %swap3A_190 = vector.shape_cast %add3A_185 : vector<16xf32> to vector<1x16xf32>
        tpu.vector_store %arg12[%swap3A_186, %swap3A_187], %swap3A_190 {strides = array<i32>} : memref<20x128xf32, #tpu.memory_space<vmem>>, vector<1x16xf32>,
        %mul3A_191 = arith.constant 4 : i32
        %mul3A_192 = arith.muli %mul3A_191, %add3A_148 : i32
        %add3A_193 = arith.constant 1 : i32
        %add3A_194 = arith.addi %mul3A_192, %add3A_193 : i32
        %get3A_195 = arith.index_cast %add3A_194 : i32 to index
        %get3A_196 = arith.constant 0 : index
        %get3A_197 = tpu.vector_load %arg8[%get3A_195, %get3A_196] {strides = array<i32>} : memref<80x32xf32, #tpu.memory_space<vmem>>, vector<1x16xf32>,
        %get3A_198 = vector.shape_cast %get3A_197 : vector<1x16xf32> to vector<16xf32>
        %mul3A_199 = arith.constant 4 : i32
        %mul3A_200 = arith.muli %mul3A_199, %add3A_148 : i32
        %add3A_201 = arith.constant 1 : i32
        %add3A_202 = arith.addi %mul3A_200, %add3A_201 : i32
        %get3A_203 = arith.index_cast %add3A_202 : i32 to index
        %get3A_204 = arith.constant 0 : index
        %get3A_205 = tpu.vector_load %arg10[%get3A_203, %get3A_204] {strides = array<i32>} : memref<80x32xf32, #tpu.memory_space<vmem>>, vector<1x16xf32>,
        %get3A_206 = vector.shape_cast %get3A_205 : vector<1x16xf32> to vector<16xf32>
        %add3A_207 = arith.addf %get3A_198, %get3A_206 : vector<16xf32>
        %swap3A_208 = arith.index_cast %add3A_148 : i32 to index
        %swap3A_209 = arith.constant 32 : index
        %swap3A_210 = tpu.vector_load %arg12[%swap3A_208, %swap3A_209] {strides = array<i32>} : memref<20x128xf32, #tpu.memory_space<vmem>>, vector<1x16xf32>,
        %swap3A_211 = vector.shape_cast %swap3A_210 : vector<1x16xf32> to vector<16xf32>
        %swap3A_212 = vector.shape_cast %add3A_207 : vector<16xf32> to vector<1x16xf32>
        tpu.vector_store %arg12[%swap3A_208, %swap3A_209], %swap3A_212 {strides = array<i32>} : memref<20x128xf32, #tpu.memory_space<vmem>>, vector<1x16xf32>,
        %mul3A_213 = arith.constant 4 : i32
        %mul3A_214 = arith.muli %mul3A_213, %add3A_148 : i32
        %add3A_215 = arith.constant 1 : i32
        %add3A_216 = arith.addi %mul3A_214, %add3A_215 : i32
        %get3A_217 = arith.index_cast %add3A_216 : i32 to index
        %get3A_218 = arith.constant 16 : index
        %get3A_219 = tpu.vector_load %arg8[%get3A_217, %get3A_218] {strides = array<i32>} : memref<80x32xf32, #tpu.memory_space<vmem>>, vector<1x16xf32>,
        %get3A_220 = vector.shape_cast %get3A_219 : vector<1x16xf32> to vector<16xf32>
        %mul3A_221 = arith.constant 4 : i32
        %mul3A_222 = arith.muli %mul3A_221, %add3A_148 : i32
        %add3A_223 = arith.constant 1 : i32
        %add3A_224 = arith.addi %mul3A_222, %add3A_223 : i32
        %get3A_225 = arith.index_cast %add3A_224 : i32 to index
        %get3A_226 = arith.constant 16 : index
        %get3A_227 = tpu.vector_load %arg10[%get3A_225, %get3A_226] {strides = array<i32>} : memref<80x32xf32, #tpu.memory_space<vmem>>, vector<1x16xf32>,
        %get3A_228 = vector.shape_cast %get3A_227 : vector<1x16xf32> to vector<16xf32>
        %add3A_229 = arith.addf %get3A_220, %get3A_228 : vector<16xf32>
        %swap3A_230 = arith.index_cast %add3A_148 : i32 to index
        %swap3A_231 = arith.constant 48 : index
        %swap3A_232 = tpu.vector_load %arg12[%swap3A_230, %swap3A_231] {strides = array<i32>} : memref<20x128xf32, #tpu.memory_space<vmem>>, vector<1x16xf32>,
        %swap3A_233 = vector.shape_cast %swap3A_232 : vector<1x16xf32> to vector<16xf32>
        %swap3A_234 = vector.shape_cast %add3A_229 : vector<16xf32> to vector<1x16xf32>
        tpu.vector_store %arg12[%swap3A_230, %swap3A_231], %swap3A_234 {strides = array<i32>} : memref<20x128xf32, #tpu.memory_space<vmem>>, vector<1x16xf32>,
        %mul3A_235 = arith.constant 4 : i32
        %mul3A_236 = arith.muli %mul3A_235, %add3A_148 : i32
        %add3A_237 = arith.constant 2 : i32
        %add3A_238 = arith.addi %mul3A_236, %add3A_237 : i32
        %get3A_239 = arith.index_cast %add3A_238 : i32 to index
        %get3A_240 = arith.constant 0 : index
        %get3A_241 = tpu.vector_load %arg8[%get3A_239, %get3A_240] {strides = array<i32>} : memref<80x32xf32, #tpu.memory_space<vmem>>, vector<1x16xf32>,
        %get3A_242 = vector.shape_cast %get3A_241 : vector<1x16xf32> to vector<16xf32>
        %mul3A_243 = arith.constant 4 : i32
        %mul3A_244 = arith.muli %mul3A_243, %add3A_148 : i32
        %add3A_245 = arith.constant 2 : i32
        %add3A_246 = arith.addi %mul3A_244, %add3A_245 : i32
        %get3A_247 = arith.index_cast %add3A_246 : i32 to index
        %get3A_248 = arith.constant 0 : index
        %get3A_249 = tpu.vector_load %arg10[%get3A_247, %get3A_248] {strides = array<i32>} : memref<80x32xf32, #tpu.memory_space<vmem>>, vector<1x16xf32>,
        %get3A_250 = vector.shape_cast %get3A_249 : vector<1x16xf32> to vector<16xf32>
        %add3A_251 = arith.addf %get3A_242, %get3A_250 : vector<16xf32>
        %swap3A_252 = arith.index_cast %add3A_148 : i32 to index
        %swap3A_253 = arith.constant 64 : index
        %swap3A_254 = tpu.vector_load %arg12[%swap3A_252, %swap3A_253] {strides = array<i32>} : memref<20x128xf32, #tpu.memory_space<vmem>>, vector<1x16xf32>,
        %swap3A_255 = vector.shape_cast %swap3A_254 : vector<1x16xf32> to vector<16xf32>
        %swap3A_256 = vector.shape_cast %add3A_251 : vector<16xf32> to vector<1x16xf32>
        tpu.vector_store %arg12[%swap3A_252, %swap3A_253], %swap3A_256 {strides = array<i32>} : memref<20x128xf32, #tpu.memory_space<vmem>>, vector<1x16xf32>,
        %mul3A_257 = arith.constant 4 : i32
        %mul3A_258 = arith.muli %mul3A_257, %add3A_148 : i32
        %add3A_259 = arith.constant 2 : i32
        %add3A_260 = arith.addi %mul3A_258, %add3A_259 : i32
        %get3A_261 = arith.index_cast %add3A_260 : i32 to index
        %get3A_262 = arith.constant 16 : index
        %get3A_263 = tpu.vector_load %arg8[%get3A_261, %get3A_262] {strides = array<i32>} : memref<80x32xf32, #tpu.memory_space<vmem>>, vector<1x16xf32>,
        %get3A_264 = vector.shape_cast %get3A_263 : vector<1x16xf32> to vector<16xf32>
        %mul3A_265 = arith.constant 4 : i32
        %mul3A_266 = arith.muli %mul3A_265, %add3A_148 : i32
        %add3A_267 = arith.constant 2 : i32
        %add3A_268 = arith.addi %mul3A_266, %add3A_267 : i32
        %get3A_269 = arith.index_cast %add3A_268 : i32 to index
        %get3A_270 = arith.constant 16 : index
        %get3A_271 = tpu.vector_load %arg10[%get3A_269, %get3A_270] {strides = array<i32>} : memref<80x32xf32, #tpu.memory_space<vmem>>, vector<1x16xf32>,
        %get3A_272 = vector.shape_cast %get3A_271 : vector<1x16xf32> to vector<16xf32>
        %add3A_273 = arith.addf %get3A_264, %get3A_272 : vector<16xf32>
        %swap3A_274 = arith.index_cast %add3A_148 : i32 to index
        %swap3A_275 = arith.constant 80 : index
        %swap3A_276 = tpu.vector_load %arg12[%swap3A_274, %swap3A_275] {strides = array<i32>} : memref<20x128xf32, #tpu.memory_space<vmem>>, vector<1x16xf32>,
        %swap3A_277 = vector.shape_cast %swap3A_276 : vector<1x16xf32> to vector<16xf32>
        %swap3A_278 = vector.shape_cast %add3A_273 : vector<16xf32> to vector<1x16xf32>
        tpu.vector_store %arg12[%swap3A_274, %swap3A_275], %swap3A_278 {strides = array<i32>} : memref<20x128xf32, #tpu.memory_space<vmem>>, vector<1x16xf32>,
        %mul3A_279 = arith.constant 4 : i32
        %mul3A_280 = arith.muli %mul3A_279, %add3A_148 : i32
        %add3A_281 = arith.constant 3 : i32
        %add3A_282 = arith.addi %mul3A_280, %add3A_281 : i32
        %get3A_283 = arith.index_cast %add3A_282 : i32 to index
        %get3A_284 = arith.constant 0 : index
        %get3A_285 = tpu.vector_load %arg8[%get3A_283, %get3A_284] {strides = array<i32>} : memref<80x32xf32, #tpu.memory_space<vmem>>, vector<1x16xf32>,
        %get3A_286 = vector.shape_cast %get3A_285 : vector<1x16xf32> to vector<16xf32>
        %mul3A_287 = arith.constant 4 : i32
        %mul3A_288 = arith.muli %mul3A_287, %add3A_148 : i32
        %add3A_289 = arith.constant 3 : i32
        %add3A_290 = arith.addi %mul3A_288, %add3A_289 : i32
        %get3A_291 = arith.index_cast %add3A_290 : i32 to index
        %get3A_292 = arith.constant 0 : index
        %get3A_293 = tpu.vector_load %arg10[%get3A_291, %get3A_292] {strides = array<i32>} : memref<80x32xf32, #tpu.memory_space<vmem>>, vector<1x16xf32>,
        %get3A_294 = vector.shape_cast %get3A_293 : vector<1x16xf32> to vector<16xf32>
        %add3A_295 = arith.addf %get3A_286, %get3A_294 : vector<16xf32>
        %swap3A_296 = arith.index_cast %add3A_148 : i32 to index
        %swap3A_297 = arith.constant 96 : index
        %swap3A_298 = tpu.vector_load %arg12[%swap3A_296, %swap3A_297] {strides = array<i32>} : memref<20x128xf32, #tpu.memory_space<vmem>>, vector<1x16xf32>,
        %swap3A_299 = vector.shape_cast %swap3A_298 : vector<1x16xf32> to vector<16xf32>
        %swap3A_300 = vector.shape_cast %add3A_295 : vector<16xf32> to vector<1x16xf32>
        tpu.vector_store %arg12[%swap3A_296, %swap3A_297], %swap3A_300 {strides = array<i32>} : memref<20x128xf32, #tpu.memory_space<vmem>>, vector<1x16xf32>,
        %mul3A_301 = arith.constant 4 : i32
        %mul3A_302 = arith.muli %mul3A_301, %add3A_148 : i32
        %add3A_303 = arith.constant 3 : i32
        %add3A_304 = arith.addi %mul3A_302, %add3A_303 : i32
        %get3A_305 = arith.index_cast %add3A_304 : i32 to index
        %get3A_306 = arith.constant 16 : index
        %get3A_307 = tpu.vector_load %arg8[%get3A_305, %get3A_306] {strides = array<i32>} : memref<80x32xf32, #tpu.memory_space<vmem>>, vector<1x16xf32>,
        %get3A_308 = vector.shape_cast %get3A_307 : vector<1x16xf32> to vector<16xf32>
        %mul3A_309 = arith.constant 4 : i32
        %mul3A_310 = arith.muli %mul3A_309, %add3A_148 : i32
        %add3A_311 = arith.constant 3 : i32
        %add3A_312 = arith.addi %mul3A_310, %add3A_311 : i32
        %get3A_313 = arith.index_cast %add3A_312 : i32 to index
        %get3A_314 = arith.constant 16 : index
        %get3A_315 = tpu.vector_load %arg10[%get3A_313, %get3A_314] {strides = array<i32>} : memref<80x32xf32, #tpu.memory_space<vmem>>, vector<1x16xf32>,
        %get3A_316 = vector.shape_cast %get3A_315 : vector<1x16xf32> to vector<16xf32>
        %add3A_317 = arith.addf %get3A_308, %get3A_316 : vector<16xf32>
        %swap3A_318 = arith.index_cast %add3A_148 : i32 to index
        %swap3A_319 = arith.constant 112 : index
        %swap3A_320 = tpu.vector_load %arg12[%swap3A_318, %swap3A_319] {strides = array<i32>} : memref<20x128xf32, #tpu.memory_space<vmem>>, vector<1x16xf32>,
        %swap3A_321 = vector.shape_cast %swap3A_320 : vector<1x16xf32> to vector<16xf32>
        %swap3A_322 = vector.shape_cast %add3A_317 : vector<16xf32> to vector<1x16xf32>
        tpu.vector_store %arg12[%swap3A_318, %swap3A_319], %swap3A_322 {strides = array<i32>} : memref<20x128xf32, #tpu.memory_space<vmem>>, vector<1x16xf32>,
      }
      %scan3A_88 = arith.constant 20 : i32
      %add3A_89 = arith.constant 0 : i32
      %add3A_90 = arith.addi %add3A_71, %add3A_89 : i32
      %mul3A_91 = arith.constant 20 : i32
      %mul3A_92 = arith.muli %add3A_90, %mul3A_91 : i32
      %add3A_93 = arith.addi %mul3A_4, %mul3A_92 : i32
      %dma_start3A_94 = arith.constant 0 : i32
      %dma_start3A_95 = tpu.memref_slice %arg5[%add3A_93, %dma_start3A_94] : memref<80000x128xf32, #tpu.memory_space<hbm>> -> memref<20x128xf32, #tpu.memory_space<hbm>>
      %dma_start3A_96 = arith.constant 0 : i32
      %dma_start3A_97 = tpu.memref_slice %arg5[%add3A_93, %dma_start3A_96] : memref<80000x128xf32, #tpu.memory_space<hbm>> -> memref<20x128xf32, #tpu.memory_space<hbm>>
      tpu.enqueue_dma source(%arg12 : memref<20x128xf32, #tpu.memory_space<vmem>>) target(%dma_start3A_97 : memref<20x128xf32, #tpu.memory_space<hbm>>) target_semaphore(%arg18 : memref<!tpu.dma_semaphore, #tpu.memory_space<semaphore_mem>>)
      %add3A_98 = arith.constant 2 : i32
      %add3A_99 = arith.addi %add3A_71, %add3A_98 : i32
      %add3A_100 = arith.constant 0 : i32
      %add3A_101 = arith.addi %add3A_99, %add3A_100 : i32
      %lt3A = arith.constant 125 : i32
      %lt3A_102 = arith.cmpi slt, %add3A_101, %lt3A : i32
      %convert_element_type3A_103 = arith.extui %lt3A_102 : i1 to i32
      %cond3A_104 = arith.constant 0 : i32
      %cond3A_105 = arith.cmpi ne, %convert_element_type3A_103, %cond3A_104 : i32
      scf.if %cond3A_105 {
        %add3A_144 = arith.constant 2 : i32
        %add3A_145 = arith.addi %add3A_71, %add3A_144 : i32
        %add3A_146 = arith.constant 0 : i32
        %add3A_147 = arith.addi %add3A_145, %add3A_146 : i32
        %mul3A_148 = arith.constant 80 : i32
        %mul3A_149 = arith.muli %add3A_147, %mul3A_148 : i32
        %dma_start3A_150 = tpu.memref_slice %arg6[%mul3A_149] : memref<10000xi32, #tpu.memory_space<vmem>> -> memref<80xi32, #tpu.memory_space<vmem>>
        %dma_start3A_151 = arith.constant 0 : i32
        %dma_start3A_152 = arith.constant 0 : i32
        %dma_start3A_153 = tpu.memref_slice %arg2[%dma_start3A_151, %dma_start3A_152] : memref<10000x32xf32, #tpu.memory_space<hbm>> -> memref<10000x32xf32, #tpu.memory_space<hbm>>
        tpu.enqueue_indirect_dma source(%dma_start3A_153 : memref<10000x32xf32, #tpu.memory_space<hbm>>) target(%arg8 : memref<80x32xf32, #tpu.memory_space<vmem>>) offsets(%dma_start3A_150 : memref<80xi32, #tpu.memory_space<vmem>>) semaphore(%arg14 : memref<!tpu.dma_semaphore, #tpu.memory_space<semaphore_mem>>)
        %dma_start3A_154 = tpu.memref_slice %arg7[%mul3A_149] : memref<10000xi32, #tpu.memory_space<vmem>> -> memref<80xi32, #tpu.memory_space<vmem>>
        %dma_start3A_155 = arith.constant 0 : i32
        %dma_start3A_156 = arith.constant 0 : i32
        %dma_start3A_157 = tpu.memref_slice %arg3[%dma_start3A_155, %dma_start3A_156] : memref<10000x32xf32, #tpu.memory_space<hbm>> -> memref<10000x32xf32, #tpu.memory_space<hbm>>
        tpu.enqueue_indirect_dma source(%dma_start3A_157 : memref<10000x32xf32, #tpu.memory_space<hbm>>) target(%arg10 : memref<80x32xf32, #tpu.memory_space<vmem>>) offsets(%dma_start3A_154 : memref<80xi32, #tpu.memory_space<vmem>>) semaphore(%arg16 : memref<!tpu.dma_semaphore, #tpu.memory_space<semaphore_mem>>)
      } else {
      }
      %dma_wait3A_106 = arith.constant 0 : i32
      %dma_wait3A_107 = tpu.memref_slice %arg6[%dma_wait3A_106] : memref<10000xi32, #tpu.memory_space<vmem>> -> memref<80xi32, #tpu.memory_space<vmem>>
      %dma_wait3A_108 = arith.constant 0 : i32
      %dma_wait3A_109 = arith.constant 0 : i32
      %dma_wait3A_110 = tpu.memref_slice %arg2[%dma_wait3A_108, %dma_wait3A_109] : memref<10000x32xf32, #tpu.memory_space<hbm>> -> memref<10000x32xf32, #tpu.memory_space<hbm>>
      tpu.wait_indirect_dma semaphore(%arg15 : memref<!tpu.dma_semaphore, #tpu.memory_space<semaphore_mem>>) src(%dma_wait3A_110 : memref<10000x32xf32, #tpu.memory_space<hbm>>) dst(%arg9 : memref<80x32xf32, #tpu.memory_space<vmem>>)
      %dma_wait3A_111 = arith.constant 0 : i32
      %dma_wait3A_112 = tpu.memref_slice %arg7[%dma_wait3A_111] : memref<10000xi32, #tpu.memory_space<vmem>> -> memref<80xi32, #tpu.memory_space<vmem>>
      %dma_wait3A_113 = arith.constant 0 : i32
      %dma_wait3A_114 = arith.constant 0 : i32
      %dma_wait3A_115 = tpu.memref_slice %arg3[%dma_wait3A_113, %dma_wait3A_114] : memref<10000x32xf32, #tpu.memory_space<hbm>> -> memref<10000x32xf32, #tpu.memory_space<hbm>>
      tpu.wait_indirect_dma semaphore(%arg17 : memref<!tpu.dma_semaphore, #tpu.memory_space<semaphore_mem>>) src(%dma_wait3A_115 : memref<10000x32xf32, #tpu.memory_space<hbm>>) dst(%arg11 : memref<80x32xf32, #tpu.memory_space<vmem>>)
      %ge3A_116 = arith.constant 2 : i32
      %ge3A_117 = arith.cmpi sge, %add3A_71, %ge3A_116 : i32
      %convert_element_type3A_118 = arith.extui %ge3A_117 : i1 to i32
      %cond3A_119 = arith.constant 0 : i32
      %cond3A_120 = arith.cmpi ne, %convert_element_type3A_118, %cond3A_119 : i32
      scf.if %cond3A_120 {
        %dma_wait3A_144 = arith.constant 0 : i32
        %dma_wait3A_145 = arith.constant 0 : i32
        %dma_wait3A_146 = tpu.memref_slice %arg5[%dma_wait3A_144, %dma_wait3A_145] : memref<80000x128xf32, #tpu.memory_space<hbm>> -> memref<20x128xf32, #tpu.memory_space<hbm>>
        %dma_wait3A_147 = arith.constant 0 : i32
        %dma_wait3A_148 = arith.constant 0 : i32
        %dma_wait3A_149 = tpu.memref_slice %arg5[%dma_wait3A_147, %dma_wait3A_148] : memref<80000x128xf32, #tpu.memory_space<hbm>> -> memref<20x128xf32, #tpu.memory_space<hbm>>
        tpu.wait_dma2 semaphore(%arg19 : memref<!tpu.dma_semaphore, #tpu.memory_space<semaphore_mem>>) src(%arg13 : memref<20x128xf32, #tpu.memory_space<vmem>>) dst(%dma_wait3A_149 : memref<20x128xf32, #tpu.memory_space<hbm>>)
      } else {
      }
      %scan3A_121 = arith.constant 0 : i32
      %scan3A_122 = arith.constant 20 : i32
      %scan3A_123 = arith.addi %scan3A_121, %scan3A_122 : i32
      %scan3A_124 = arith.constant 1 : i32
      scf.for %scan3A_144 = %scan3A_121 to %scan3A_123 step %scan3A_124  : i32 {
        %mul3A_145 = arith.constant 1 : i32
        %mul3A_146 = arith.muli %scan3A_144, %mul3A_145 : i32
        %add3A_147 = arith.constant 0 : i32
        %add3A_148 = arith.addi %add3A_147, %mul3A_146 : i32
        %mul3A_149 = arith.constant 4 : i32
        %mul3A_150 = arith.muli %mul3A_149, %add3A_148 : i32
        %add3A_151 = arith.constant 0 : i32
        %add3A_152 = arith.addi %mul3A_150, %add3A_151 : i32
        %get3A = arith.index_cast %add3A_152 : i32 to index
        %get3A_153 = arith.constant 0 : index
        %get3A_154 = tpu.vector_load %arg9[%get3A, %get3A_153] {strides = array<i32>} : memref<80x32xf32, #tpu.memory_space<vmem>>, vector<1x16xf32>,
        %get3A_155 = vector.shape_cast %get3A_154 : vector<1x16xf32> to vector<16xf32>
        %mul3A_156 = arith.constant 4 : i32
        %mul3A_157 = arith.muli %mul3A_156, %add3A_148 : i32
        %add3A_158 = arith.constant 0 : i32
        %add3A_159 = arith.addi %mul3A_157, %add3A_158 : i32
        %get3A_160 = arith.index_cast %add3A_159 : i32 to index
        %get3A_161 = arith.constant 0 : index
        %get3A_162 = tpu.vector_load %arg11[%get3A_160, %get3A_161] {strides = array<i32>} : memref<80x32xf32, #tpu.memory_space<vmem>>, vector<1x16xf32>,
        %get3A_163 = vector.shape_cast %get3A_162 : vector<1x16xf32> to vector<16xf32>
        %add3A_164 = arith.addf %get3A_155, %get3A_163 : vector<16xf32>
        %swap3A = arith.index_cast %add3A_148 : i32 to index
        %swap3A_165 = arith.constant 0 : index
        %swap3A_166 = tpu.vector_load %arg13[%swap3A, %swap3A_165] {strides = array<i32>} : memref<20x128xf32, #tpu.memory_space<vmem>>, vector<1x16xf32>,
        %swap3A_167 = vector.shape_cast %swap3A_166 : vector<1x16xf32> to vector<16xf32>
        %swap3A_168 = vector.shape_cast %add3A_164 : vector<16xf32> to vector<1x16xf32>
        tpu.vector_store %arg13[%swap3A, %swap3A_165], %swap3A_168 {strides = array<i32>} : memref<20x128xf32, #tpu.memory_space<vmem>>, vector<1x16xf32>,
        %mul3A_169 = arith.constant 4 : i32
        %mul3A_170 = arith.muli %mul3A_169, %add3A_148 : i32
        %add3A_171 = arith.constant 0 : i32
        %add3A_172 = arith.addi %mul3A_170, %add3A_171 : i32
        %get3A_173 = arith.index_cast %add3A_172 : i32 to index
        %get3A_174 = arith.constant 16 : index
        %get3A_175 = tpu.vector_load %arg9[%get3A_173, %get3A_174] {strides = array<i32>} : memref<80x32xf32, #tpu.memory_space<vmem>>, vector<1x16xf32>,
        %get3A_176 = vector.shape_cast %get3A_175 : vector<1x16xf32> to vector<16xf32>
        %mul3A_177 = arith.constant 4 : i32
        %mul3A_178 = arith.muli %mul3A_177, %add3A_148 : i32
        %add3A_179 = arith.constant 0 : i32
        %add3A_180 = arith.addi %mul3A_178, %add3A_179 : i32
        %get3A_181 = arith.index_cast %add3A_180 : i32 to index
        %get3A_182 = arith.constant 16 : index
        %get3A_183 = tpu.vector_load %arg11[%get3A_181, %get3A_182] {strides = array<i32>} : memref<80x32xf32, #tpu.memory_space<vmem>>, vector<1x16xf32>,
        %get3A_184 = vector.shape_cast %get3A_183 : vector<1x16xf32> to vector<16xf32>
        %add3A_185 = arith.addf %get3A_176, %get3A_184 : vector<16xf32>
        %swap3A_186 = arith.index_cast %add3A_148 : i32 to index
        %swap3A_187 = arith.constant 16 : index
        %swap3A_188 = tpu.vector_load %arg13[%swap3A_186, %swap3A_187] {strides = array<i32>} : memref<20x128xf32, #tpu.memory_space<vmem>>, vector<1x16xf32>,
        %swap3A_189 = vector.shape_cast %swap3A_188 : vector<1x16xf32> to vector<16xf32>
        %swap3A_190 = vector.shape_cast %add3A_185 : vector<16xf32> to vector<1x16xf32>
        tpu.vector_store %arg13[%swap3A_186, %swap3A_187], %swap3A_190 {strides = array<i32>} : memref<20x128xf32, #tpu.memory_space<vmem>>, vector<1x16xf32>,
        %mul3A_191 = arith.constant 4 : i32
        %mul3A_192 = arith.muli %mul3A_191, %add3A_148 : i32
        %add3A_193 = arith.constant 1 : i32
        %add3A_194 = arith.addi %mul3A_192, %add3A_193 : i32
        %get3A_195 = arith.index_cast %add3A_194 : i32 to index
        %get3A_196 = arith.constant 0 : index
        %get3A_197 = tpu.vector_load %arg9[%get3A_195, %get3A_196] {strides = array<i32>} : memref<80x32xf32, #tpu.memory_space<vmem>>, vector<1x16xf32>,
        %get3A_198 = vector.shape_cast %get3A_197 : vector<1x16xf32> to vector<16xf32>
        %mul3A_199 = arith.constant 4 : i32
        %mul3A_200 = arith.muli %mul3A_199, %add3A_148 : i32
        %add3A_201 = arith.constant 1 : i32
        %add3A_202 = arith.addi %mul3A_200, %add3A_201 : i32
        %get3A_203 = arith.index_cast %add3A_202 : i32 to index
        %get3A_204 = arith.constant 0 : index
        %get3A_205 = tpu.vector_load %arg11[%get3A_203, %get3A_204] {strides = array<i32>} : memref<80x32xf32, #tpu.memory_space<vmem>>, vector<1x16xf32>,
        %get3A_206 = vector.shape_cast %get3A_205 : vector<1x16xf32> to vector<16xf32>
        %add3A_207 = arith.addf %get3A_198, %get3A_206 : vector<16xf32>
        %swap3A_208 = arith.index_cast %add3A_148 : i32 to index
        %swap3A_209 = arith.constant 32 : index
        %swap3A_210 = tpu.vector_load %arg13[%swap3A_208, %swap3A_209] {strides = array<i32>} : memref<20x128xf32, #tpu.memory_space<vmem>>, vector<1x16xf32>,
        %swap3A_211 = vector.shape_cast %swap3A_210 : vector<1x16xf32> to vector<16xf32>
        %swap3A_212 = vector.shape_cast %add3A_207 : vector<16xf32> to vector<1x16xf32>
        tpu.vector_store %arg13[%swap3A_208, %swap3A_209], %swap3A_212 {strides = array<i32>} : memref<20x128xf32, #tpu.memory_space<vmem>>, vector<1x16xf32>,
        %mul3A_213 = arith.constant 4 : i32
        %mul3A_214 = arith.muli %mul3A_213, %add3A_148 : i32
        %add3A_215 = arith.constant 1 : i32
        %add3A_216 = arith.addi %mul3A_214, %add3A_215 : i32
        %get3A_217 = arith.index_cast %add3A_216 : i32 to index
        %get3A_218 = arith.constant 16 : index
        %get3A_219 = tpu.vector_load %arg9[%get3A_217, %get3A_218] {strides = array<i32>} : memref<80x32xf32, #tpu.memory_space<vmem>>, vector<1x16xf32>,
        %get3A_220 = vector.shape_cast %get3A_219 : vector<1x16xf32> to vector<16xf32>
        %mul3A_221 = arith.constant 4 : i32
        %mul3A_222 = arith.muli %mul3A_221, %add3A_148 : i32
        %add3A_223 = arith.constant 1 : i32
        %add3A_224 = arith.addi %mul3A_222, %add3A_223 : i32
        %get3A_225 = arith.index_cast %add3A_224 : i32 to index
        %get3A_226 = arith.constant 16 : index
        %get3A_227 = tpu.vector_load %arg11[%get3A_225, %get3A_226] {strides = array<i32>} : memref<80x32xf32, #tpu.memory_space<vmem>>, vector<1x16xf32>,
        %get3A_228 = vector.shape_cast %get3A_227 : vector<1x16xf32> to vector<16xf32>
        %add3A_229 = arith.addf %get3A_220, %get3A_228 : vector<16xf32>
        %swap3A_230 = arith.index_cast %add3A_148 : i32 to index
        %swap3A_231 = arith.constant 48 : index
        %swap3A_232 = tpu.vector_load %arg13[%swap3A_230, %swap3A_231] {strides = array<i32>} : memref<20x128xf32, #tpu.memory_space<vmem>>, vector<1x16xf32>,
        %swap3A_233 = vector.shape_cast %swap3A_232 : vector<1x16xf32> to vector<16xf32>
        %swap3A_234 = vector.shape_cast %add3A_229 : vector<16xf32> to vector<1x16xf32>
        tpu.vector_store %arg13[%swap3A_230, %swap3A_231], %swap3A_234 {strides = array<i32>} : memref<20x128xf32, #tpu.memory_space<vmem>>, vector<1x16xf32>,
        %mul3A_235 = arith.constant 4 : i32
        %mul3A_236 = arith.muli %mul3A_235, %add3A_148 : i32
        %add3A_237 = arith.constant 2 : i32
        %add3A_238 = arith.addi %mul3A_236, %add3A_237 : i32
        %get3A_239 = arith.index_cast %add3A_238 : i32 to index
        %get3A_240 = arith.constant 0 : index
        %get3A_241 = tpu.vector_load %arg9[%get3A_239, %get3A_240] {strides = array<i32>} : memref<80x32xf32, #tpu.memory_space<vmem>>, vector<1x16xf32>,
        %get3A_242 = vector.shape_cast %get3A_241 : vector<1x16xf32> to vector<16xf32>
        %mul3A_243 = arith.constant 4 : i32
        %mul3A_244 = arith.muli %mul3A_243, %add3A_148 : i32
        %add3A_245 = arith.constant 2 : i32
        %add3A_246 = arith.addi %mul3A_244, %add3A_245 : i32
        %get3A_247 = arith.index_cast %add3A_246 : i32 to index
        %get3A_248 = arith.constant 0 : index
        %get3A_249 = tpu.vector_load %arg11[%get3A_247, %get3A_248] {strides = array<i32>} : memref<80x32xf32, #tpu.memory_space<vmem>>, vector<1x16xf32>,
        %get3A_250 = vector.shape_cast %get3A_249 : vector<1x16xf32> to vector<16xf32>
        %add3A_251 = arith.addf %get3A_242, %get3A_250 : vector<16xf32>
        %swap3A_252 = arith.index_cast %add3A_148 : i32 to index
        %swap3A_253 = arith.constant 64 : index
        %swap3A_254 = tpu.vector_load %arg13[%swap3A_252, %swap3A_253] {strides = array<i32>} : memref<20x128xf32, #tpu.memory_space<vmem>>, vector<1x16xf32>,
        %swap3A_255 = vector.shape_cast %swap3A_254 : vector<1x16xf32> to vector<16xf32>
        %swap3A_256 = vector.shape_cast %add3A_251 : vector<16xf32> to vector<1x16xf32>
        tpu.vector_store %arg13[%swap3A_252, %swap3A_253], %swap3A_256 {strides = array<i32>} : memref<20x128xf32, #tpu.memory_space<vmem>>, vector<1x16xf32>,
        %mul3A_257 = arith.constant 4 : i32
        %mul3A_258 = arith.muli %mul3A_257, %add3A_148 : i32
        %add3A_259 = arith.constant 2 : i32
        %add3A_260 = arith.addi %mul3A_258, %add3A_259 : i32
        %get3A_261 = arith.index_cast %add3A_260 : i32 to index
        %get3A_262 = arith.constant 16 : index
        %get3A_263 = tpu.vector_load %arg9[%get3A_261, %get3A_262] {strides = array<i32>} : memref<80x32xf32, #tpu.memory_space<vmem>>, vector<1x16xf32>,
        %get3A_264 = vector.shape_cast %get3A_263 : vector<1x16xf32> to vector<16xf32>
        %mul3A_265 = arith.constant 4 : i32
        %mul3A_266 = arith.muli %mul3A_265, %add3A_148 : i32
        %add3A_267 = arith.constant 2 : i32
        %add3A_268 = arith.addi %mul3A_266, %add3A_267 : i32
        %get3A_269 = arith.index_cast %add3A_268 : i32 to index
        %get3A_270 = arith.constant 16 : index
        %get3A_271 = tpu.vector_load %arg11[%get3A_269, %get3A_270] {strides = array<i32>} : memref<80x32xf32, #tpu.memory_space<vmem>>, vector<1x16xf32>,
        %get3A_272 = vector.shape_cast %get3A_271 : vector<1x16xf32> to vector<16xf32>
        %add3A_273 = arith.addf %get3A_264, %get3A_272 : vector<16xf32>
        %swap3A_274 = arith.index_cast %add3A_148 : i32 to index
        %swap3A_275 = arith.constant 80 : index
        %swap3A_276 = tpu.vector_load %arg13[%swap3A_274, %swap3A_275] {strides = array<i32>} : memref<20x128xf32, #tpu.memory_space<vmem>>, vector<1x16xf32>,
        %swap3A_277 = vector.shape_cast %swap3A_276 : vector<1x16xf32> to vector<16xf32>
        %swap3A_278 = vector.shape_cast %add3A_273 : vector<16xf32> to vector<1x16xf32>
        tpu.vector_store %arg13[%swap3A_274, %swap3A_275], %swap3A_278 {strides = array<i32>} : memref<20x128xf32, #tpu.memory_space<vmem>>, vector<1x16xf32>,
        %mul3A_279 = arith.constant 4 : i32
        %mul3A_280 = arith.muli %mul3A_279, %add3A_148 : i32
        %add3A_281 = arith.constant 3 : i32
        %add3A_282 = arith.addi %mul3A_280, %add3A_281 : i32
        %get3A_283 = arith.index_cast %add3A_282 : i32 to index
        %get3A_284 = arith.constant 0 : index
        %get3A_285 = tpu.vector_load %arg9[%get3A_283, %get3A_284] {strides = array<i32>} : memref<80x32xf32, #tpu.memory_space<vmem>>, vector<1x16xf32>,
        %get3A_286 = vector.shape_cast %get3A_285 : vector<1x16xf32> to vector<16xf32>
        %mul3A_287 = arith.constant 4 : i32
        %mul3A_288 = arith.muli %mul3A_287, %add3A_148 : i32
        %add3A_289 = arith.constant 3 : i32
        %add3A_290 = arith.addi %mul3A_288, %add3A_289 : i32
        %get3A_291 = arith.index_cast %add3A_290 : i32 to index
        %get3A_292 = arith.constant 0 : index
        %get3A_293 = tpu.vector_load %arg11[%get3A_291, %get3A_292] {strides = array<i32>} : memref<80x32xf32, #tpu.memory_space<vmem>>, vector<1x16xf32>,
        %get3A_294 = vector.shape_cast %get3A_293 : vector<1x16xf32> to vector<16xf32>
        %add3A_295 = arith.addf %get3A_286, %get3A_294 : vector<16xf32>
        %swap3A_296 = arith.index_cast %add3A_148 : i32 to index
        %swap3A_297 = arith.constant 96 : index
        %swap3A_298 = tpu.vector_load %arg13[%swap3A_296, %swap3A_297] {strides = array<i32>} : memref<20x128xf32, #tpu.memory_space<vmem>>, vector<1x16xf32>,
        %swap3A_299 = vector.shape_cast %swap3A_298 : vector<1x16xf32> to vector<16xf32>
        %swap3A_300 = vector.shape_cast %add3A_295 : vector<16xf32> to vector<1x16xf32>
        tpu.vector_store %arg13[%swap3A_296, %swap3A_297], %swap3A_300 {strides = array<i32>} : memref<20x128xf32, #tpu.memory_space<vmem>>, vector<1x16xf32>,
        %mul3A_301 = arith.constant 4 : i32
        %mul3A_302 = arith.muli %mul3A_301, %add3A_148 : i32
        %add3A_303 = arith.constant 3 : i32
        %add3A_304 = arith.addi %mul3A_302, %add3A_303 : i32
        %get3A_305 = arith.index_cast %add3A_304 : i32 to index
        %get3A_306 = arith.constant 16 : index
        %get3A_307 = tpu.vector_load %arg9[%get3A_305, %get3A_306] {strides = array<i32>} : memref<80x32xf32, #tpu.memory_space<vmem>>, vector<1x16xf32>,
        %get3A_308 = vector.shape_cast %get3A_307 : vector<1x16xf32> to vector<16xf32>
        %mul3A_309 = arith.constant 4 : i32
        %mul3A_310 = arith.muli %mul3A_309, %add3A_148 : i32
        %add3A_311 = arith.constant 3 : i32
        %add3A_312 = arith.addi %mul3A_310, %add3A_311 : i32
        %get3A_313 = arith.index_cast %add3A_312 : i32 to index
        %get3A_314 = arith.constant 16 : index
        %get3A_315 = tpu.vector_load %arg11[%get3A_313, %get3A_314] {strides = array<i32>} : memref<80x32xf32, #tpu.memory_space<vmem>>, vector<1x16xf32>,
        %get3A_316 = vector.shape_cast %get3A_315 : vector<1x16xf32> to vector<16xf32>
        %add3A_317 = arith.addf %get3A_308, %get3A_316 : vector<16xf32>
        %swap3A_318 = arith.index_cast %add3A_148 : i32 to index
        %swap3A_319 = arith.constant 112 : index
        %swap3A_320 = tpu.vector_load %arg13[%swap3A_318, %swap3A_319] {strides = array<i32>} : memref<20x128xf32, #tpu.memory_space<vmem>>, vector<1x16xf32>,
        %swap3A_321 = vector.shape_cast %swap3A_320 : vector<1x16xf32> to vector<16xf32>
        %swap3A_322 = vector.shape_cast %add3A_317 : vector<16xf32> to vector<1x16xf32>
        tpu.vector_store %arg13[%swap3A_318, %swap3A_319], %swap3A_322 {strides = array<i32>} : memref<20x128xf32, #tpu.memory_space<vmem>>, vector<1x16xf32>,
      }
      %scan3A_125 = arith.constant 20 : i32
      %add3A_126 = arith.constant 1 : i32
      %add3A_127 = arith.addi %add3A_71, %add3A_126 : i32
      %mul3A_128 = arith.constant 20 : i32
      %mul3A_129 = arith.muli %add3A_127, %mul3A_128 : i32
      %add3A_130 = arith.addi %mul3A_4, %mul3A_129 : i32
      %dma_start3A_131 = arith.constant 0 : i32
      %dma_start3A_132 = tpu.memref_slice %arg5[%add3A_130, %dma_start3A_131] : memref<80000x128xf32, #tpu.memory_space<hbm>> -> memref<20x128xf32, #tpu.memory_space<hbm>>
      %dma_start3A_133 = arith.constant 0 : i32
      %dma_start3A_134 = tpu.memref_slice %arg5[%add3A_130, %dma_start3A_133] : memref<80000x128xf32, #tpu.memory_space<hbm>> -> memref<20x128xf32, #tpu.memory_space<hbm>>
      tpu.enqueue_dma source(%arg13 : memref<20x128xf32, #tpu.memory_space<vmem>>) target(%dma_start3A_134 : memref<20x128xf32, #tpu.memory_space<hbm>>) target_semaphore(%arg19 : memref<!tpu.dma_semaphore, #tpu.memory_space<semaphore_mem>>)
      %add3A_135 = arith.constant 2 : i32
      %add3A_136 = arith.addi %add3A_71, %add3A_135 : i32
      %add3A_137 = arith.constant 1 : i32
      %add3A_138 = arith.addi %add3A_136, %add3A_137 : i32
      %lt3A_139 = arith.constant 125 : i32
      %lt3A_140 = arith.cmpi slt, %add3A_138, %lt3A_139 : i32
      %convert_element_type3A_141 = arith.extui %lt3A_140 : i1 to i32
      %cond3A_142 = arith.constant 0 : i32
      %cond3A_143 = arith.cmpi ne, %convert_element_type3A_141, %cond3A_142 : i32
      scf.if %cond3A_143 {
        %add3A_144 = arith.constant 2 : i32
        %add3A_145 = arith.addi %add3A_71, %add3A_144 : i32
        %add3A_146 = arith.constant 1 : i32
        %add3A_147 = arith.addi %add3A_145, %add3A_146 : i32
        %mul3A_148 = arith.constant 80 : i32
        %mul3A_149 = arith.muli %add3A_147, %mul3A_148 : i32
        %dma_start3A_150 = tpu.memref_slice %arg6[%mul3A_149] : memref<10000xi32, #tpu.memory_space<vmem>> -> memref<80xi32, #tpu.memory_space<vmem>>
        %dma_start3A_151 = arith.constant 0 : i32
        %dma_start3A_152 = arith.constant 0 : i32
        %dma_start3A_153 = tpu.memref_slice %arg2[%dma_start3A_151, %dma_start3A_152] : memref<10000x32xf32, #tpu.memory_space<hbm>> -> memref<10000x32xf32, #tpu.memory_space<hbm>>
        tpu.enqueue_indirect_dma source(%dma_start3A_153 : memref<10000x32xf32, #tpu.memory_space<hbm>>) target(%arg9 : memref<80x32xf32, #tpu.memory_space<vmem>>) offsets(%dma_start3A_150 : memref<80xi32, #tpu.memory_space<vmem>>) semaphore(%arg15 : memref<!tpu.dma_semaphore, #tpu.memory_space<semaphore_mem>>)
        %dma_start3A_154 = tpu.memref_slice %arg7[%mul3A_149] : memref<10000xi32, #tpu.memory_space<vmem>> -> memref<80xi32, #tpu.memory_space<vmem>>
        %dma_start3A_155 = arith.constant 0 : i32
        %dma_start3A_156 = arith.constant 0 : i32
        %dma_start3A_157 = tpu.memref_slice %arg3[%dma_start3A_155, %dma_start3A_156] : memref<10000x32xf32, #tpu.memory_space<hbm>> -> memref<10000x32xf32, #tpu.memory_space<hbm>>
        tpu.enqueue_indirect_dma source(%dma_start3A_157 : memref<10000x32xf32, #tpu.memory_space<hbm>>) target(%arg11 : memref<80x32xf32, #tpu.memory_space<vmem>>) offsets(%dma_start3A_154 : memref<80xi32, #tpu.memory_space<vmem>>) semaphore(%arg17 : memref<!tpu.dma_semaphore, #tpu.memory_space<semaphore_mem>>)
      } else {
      }
    }
    %scan3A_28 = arith.constant 62 : i32
    %dma_wait3A = arith.constant 0 : i32
    %dma_wait3A_29 = tpu.memref_slice %arg6[%dma_wait3A] : memref<10000xi32, #tpu.memory_space<vmem>> -> memref<80xi32, #tpu.memory_space<vmem>>
    %dma_wait3A_30 = arith.constant 0 : i32
    %dma_wait3A_31 = arith.constant 0 : i32
    %dma_wait3A_32 = tpu.memref_slice %arg2[%dma_wait3A_30, %dma_wait3A_31] : memref<10000x32xf32, #tpu.memory_space<hbm>> -> memref<10000x32xf32, #tpu.memory_space<hbm>>
    tpu.wait_indirect_dma semaphore(%arg14 : memref<!tpu.dma_semaphore, #tpu.memory_space<semaphore_mem>>) src(%dma_wait3A_32 : memref<10000x32xf32, #tpu.memory_space<hbm>>) dst(%arg8 : memref<80x32xf32, #tpu.memory_space<vmem>>)
    %dma_wait3A_33 = arith.constant 0 : i32
    %dma_wait3A_34 = tpu.memref_slice %arg7[%dma_wait3A_33] : memref<10000xi32, #tpu.memory_space<vmem>> -> memref<80xi32, #tpu.memory_space<vmem>>
    %dma_wait3A_35 = arith.constant 0 : i32
    %dma_wait3A_36 = arith.constant 0 : i32
    %dma_wait3A_37 = tpu.memref_slice %arg3[%dma_wait3A_35, %dma_wait3A_36] : memref<10000x32xf32, #tpu.memory_space<hbm>> -> memref<10000x32xf32, #tpu.memory_space<hbm>>
    tpu.wait_indirect_dma semaphore(%arg16 : memref<!tpu.dma_semaphore, #tpu.memory_space<semaphore_mem>>) src(%dma_wait3A_37 : memref<10000x32xf32, #tpu.memory_space<hbm>>) dst(%arg10 : memref<80x32xf32, #tpu.memory_space<vmem>>)
    %dma_wait3A_38 = arith.constant 0 : i32
    %dma_wait3A_39 = arith.constant 0 : i32
    %dma_wait3A_40 = tpu.memref_slice %arg5[%dma_wait3A_38, %dma_wait3A_39] : memref<80000x128xf32, #tpu.memory_space<hbm>> -> memref<20x128xf32, #tpu.memory_space<hbm>>
    %dma_wait3A_41 = arith.constant 0 : i32
    %dma_wait3A_42 = arith.constant 0 : i32
    %dma_wait3A_43 = tpu.memref_slice %arg5[%dma_wait3A_41, %dma_wait3A_42] : memref<80000x128xf32, #tpu.memory_space<hbm>> -> memref<20x128xf32, #tpu.memory_space<hbm>>
    tpu.wait_dma2 semaphore(%arg18 : memref<!tpu.dma_semaphore, #tpu.memory_space<semaphore_mem>>) src(%arg12 : memref<20x128xf32, #tpu.memory_space<vmem>>) dst(%dma_wait3A_43 : memref<20x128xf32, #tpu.memory_space<hbm>>)
    %scan3A_44 = arith.constant 0 : i32
    %scan3A_45 = arith.constant 20 : i32
    %scan3A_46 = arith.addi %scan3A_44, %scan3A_45 : i32
    %scan3A_47 = arith.constant 1 : i32
    scf.for %scan3A_67 = %scan3A_44 to %scan3A_46 step %scan3A_47  : i32 {
      %mul3A_68 = arith.constant 1 : i32
      %mul3A_69 = arith.muli %scan3A_67, %mul3A_68 : i32
      %add3A_70 = arith.constant 0 : i32
      %add3A_71 = arith.addi %add3A_70, %mul3A_69 : i32
      %mul3A_72 = arith.constant 4 : i32
      %mul3A_73 = arith.muli %mul3A_72, %add3A_71 : i32
      %add3A_74 = arith.constant 0 : i32
      %add3A_75 = arith.addi %mul3A_73, %add3A_74 : i32
      %get3A = arith.index_cast %add3A_75 : i32 to index
      %get3A_76 = arith.constant 0 : index
      %get3A_77 = tpu.vector_load %arg8[%get3A, %get3A_76] {strides = array<i32>} : memref<80x32xf32, #tpu.memory_space<vmem>>, vector<1x16xf32>,
      %get3A_78 = vector.shape_cast %get3A_77 : vector<1x16xf32> to vector<16xf32>
      %mul3A_79 = arith.constant 4 : i32
      %mul3A_80 = arith.muli %mul3A_79, %add3A_71 : i32
      %add3A_81 = arith.constant 0 : i32
      %add3A_82 = arith.addi %mul3A_80, %add3A_81 : i32
      %get3A_83 = arith.index_cast %add3A_82 : i32 to index
      %get3A_84 = arith.constant 0 : index
      %get3A_85 = tpu.vector_load %arg10[%get3A_83, %get3A_84] {strides = array<i32>} : memref<80x32xf32, #tpu.memory_space<vmem>>, vector<1x16xf32>,
      %get3A_86 = vector.shape_cast %get3A_85 : vector<1x16xf32> to vector<16xf32>
      %add3A_87 = arith.addf %get3A_78, %get3A_86 : vector<16xf32>
      %swap3A = arith.index_cast %add3A_71 : i32 to index
      %swap3A_88 = arith.constant 0 : index
      %swap3A_89 = tpu.vector_load %arg12[%swap3A, %swap3A_88] {strides = array<i32>} : memref<20x128xf32, #tpu.memory_space<vmem>>, vector<1x16xf32>,
      %swap3A_90 = vector.shape_cast %swap3A_89 : vector<1x16xf32> to vector<16xf32>
      %swap3A_91 = vector.shape_cast %add3A_87 : vector<16xf32> to vector<1x16xf32>
      tpu.vector_store %arg12[%swap3A, %swap3A_88], %swap3A_91 {strides = array<i32>} : memref<20x128xf32, #tpu.memory_space<vmem>>, vector<1x16xf32>,
      %mul3A_92 = arith.constant 4 : i32
      %mul3A_93 = arith.muli %mul3A_92, %add3A_71 : i32
      %add3A_94 = arith.constant 0 : i32
      %add3A_95 = arith.addi %mul3A_93, %add3A_94 : i32
      %get3A_96 = arith.index_cast %add3A_95 : i32 to index
      %get3A_97 = arith.constant 16 : index
      %get3A_98 = tpu.vector_load %arg8[%get3A_96, %get3A_97] {strides = array<i32>} : memref<80x32xf32, #tpu.memory_space<vmem>>, vector<1x16xf32>,
      %get3A_99 = vector.shape_cast %get3A_98 : vector<1x16xf32> to vector<16xf32>
      %mul3A_100 = arith.constant 4 : i32
      %mul3A_101 = arith.muli %mul3A_100, %add3A_71 : i32
      %add3A_102 = arith.constant 0 : i32
      %add3A_103 = arith.addi %mul3A_101, %add3A_102 : i32
      %get3A_104 = arith.index_cast %add3A_103 : i32 to index
      %get3A_105 = arith.constant 16 : index
      %get3A_106 = tpu.vector_load %arg10[%get3A_104, %get3A_105] {strides = array<i32>} : memref<80x32xf32, #tpu.memory_space<vmem>>, vector<1x16xf32>,
      %get3A_107 = vector.shape_cast %get3A_106 : vector<1x16xf32> to vector<16xf32>
      %add3A_108 = arith.addf %get3A_99, %get3A_107 : vector<16xf32>
      %swap3A_109 = arith.index_cast %add3A_71 : i32 to index
      %swap3A_110 = arith.constant 16 : index
      %swap3A_111 = tpu.vector_load %arg12[%swap3A_109, %swap3A_110] {strides = array<i32>} : memref<20x128xf32, #tpu.memory_space<vmem>>, vector<1x16xf32>,
      %swap3A_112 = vector.shape_cast %swap3A_111 : vector<1x16xf32> to vector<16xf32>
      %swap3A_113 = vector.shape_cast %add3A_108 : vector<16xf32> to vector<1x16xf32>
      tpu.vector_store %arg12[%swap3A_109, %swap3A_110], %swap3A_113 {strides = array<i32>} : memref<20x128xf32, #tpu.memory_space<vmem>>, vector<1x16xf32>,
      %mul3A_114 = arith.constant 4 : i32
      %mul3A_115 = arith.muli %mul3A_114, %add3A_71 : i32
      %add3A_116 = arith.constant 1 : i32
      %add3A_117 = arith.addi %mul3A_115, %add3A_116 : i32
      %get3A_118 = arith.index_cast %add3A_117 : i32 to index
      %get3A_119 = arith.constant 0 : index
      %get3A_120 = tpu.vector_load %arg8[%get3A_118, %get3A_119] {strides = array<i32>} : memref<80x32xf32, #tpu.memory_space<vmem>>, vector<1x16xf32>,
      %get3A_121 = vector.shape_cast %get3A_120 : vector<1x16xf32> to vector<16xf32>
      %mul3A_122 = arith.constant 4 : i32
      %mul3A_123 = arith.muli %mul3A_122, %add3A_71 : i32
      %add3A_124 = arith.constant 1 : i32
      %add3A_125 = arith.addi %mul3A_123, %add3A_124 : i32
      %get3A_126 = arith.index_cast %add3A_125 : i32 to index
      %get3A_127 = arith.constant 0 : index
      %get3A_128 = tpu.vector_load %arg10[%get3A_126, %get3A_127] {strides = array<i32>} : memref<80x32xf32, #tpu.memory_space<vmem>>, vector<1x16xf32>,
      %get3A_129 = vector.shape_cast %get3A_128 : vector<1x16xf32> to vector<16xf32>
      %add3A_130 = arith.addf %get3A_121, %get3A_129 : vector<16xf32>
      %swap3A_131 = arith.index_cast %add3A_71 : i32 to index
      %swap3A_132 = arith.constant 32 : index
      %swap3A_133 = tpu.vector_load %arg12[%swap3A_131, %swap3A_132] {strides = array<i32>} : memref<20x128xf32, #tpu.memory_space<vmem>>, vector<1x16xf32>,
      %swap3A_134 = vector.shape_cast %swap3A_133 : vector<1x16xf32> to vector<16xf32>
      %swap3A_135 = vector.shape_cast %add3A_130 : vector<16xf32> to vector<1x16xf32>
      tpu.vector_store %arg12[%swap3A_131, %swap3A_132], %swap3A_135 {strides = array<i32>} : memref<20x128xf32, #tpu.memory_space<vmem>>, vector<1x16xf32>,
      %mul3A_136 = arith.constant 4 : i32
      %mul3A_137 = arith.muli %mul3A_136, %add3A_71 : i32
      %add3A_138 = arith.constant 1 : i32
      %add3A_139 = arith.addi %mul3A_137, %add3A_138 : i32
      %get3A_140 = arith.index_cast %add3A_139 : i32 to index
      %get3A_141 = arith.constant 16 : index
      %get3A_142 = tpu.vector_load %arg8[%get3A_140, %get3A_141] {strides = array<i32>} : memref<80x32xf32, #tpu.memory_space<vmem>>, vector<1x16xf32>,
      %get3A_143 = vector.shape_cast %get3A_142 : vector<1x16xf32> to vector<16xf32>
      %mul3A_144 = arith.constant 4 : i32
      %mul3A_145 = arith.muli %mul3A_144, %add3A_71 : i32
      %add3A_146 = arith.constant 1 : i32
      %add3A_147 = arith.addi %mul3A_145, %add3A_146 : i32
      %get3A_148 = arith.index_cast %add3A_147 : i32 to index
      %get3A_149 = arith.constant 16 : index
      %get3A_150 = tpu.vector_load %arg10[%get3A_148, %get3A_149] {strides = array<i32>} : memref<80x32xf32, #tpu.memory_space<vmem>>, vector<1x16xf32>,
      %get3A_151 = vector.shape_cast %get3A_150 : vector<1x16xf32> to vector<16xf32>
      %add3A_152 = arith.addf %get3A_143, %get3A_151 : vector<16xf32>
      %swap3A_153 = arith.index_cast %add3A_71 : i32 to index
      %swap3A_154 = arith.constant 48 : index
      %swap3A_155 = tpu.vector_load %arg12[%swap3A_153, %swap3A_154] {strides = array<i32>} : memref<20x128xf32, #tpu.memory_space<vmem>>, vector<1x16xf32>,
      %swap3A_156 = vector.shape_cast %swap3A_155 : vector<1x16xf32> to vector<16xf32>
      %swap3A_157 = vector.shape_cast %add3A_152 : vector<16xf32> to vector<1x16xf32>
      tpu.vector_store %arg12[%swap3A_153, %swap3A_154], %swap3A_157 {strides = array<i32>} : memref<20x128xf32, #tpu.memory_space<vmem>>, vector<1x16xf32>,
      %mul3A_158 = arith.constant 4 : i32
      %mul3A_159 = arith.muli %mul3A_158, %add3A_71 : i32
      %add3A_160 = arith.constant 2 : i32
      %add3A_161 = arith.addi %mul3A_159, %add3A_160 : i32
      %get3A_162 = arith.index_cast %add3A_161 : i32 to index
      %get3A_163 = arith.constant 0 : index
      %get3A_164 = tpu.vector_load %arg8[%get3A_162, %get3A_163] {strides = array<i32>} : memref<80x32xf32, #tpu.memory_space<vmem>>, vector<1x16xf32>,
      %get3A_165 = vector.shape_cast %get3A_164 : vector<1x16xf32> to vector<16xf32>
      %mul3A_166 = arith.constant 4 : i32
      %mul3A_167 = arith.muli %mul3A_166, %add3A_71 : i32
      %add3A_168 = arith.constant 2 : i32
      %add3A_169 = arith.addi %mul3A_167, %add3A_168 : i32
      %get3A_170 = arith.index_cast %add3A_169 : i32 to index
      %get3A_171 = arith.constant 0 : index
      %get3A_172 = tpu.vector_load %arg10[%get3A_170, %get3A_171] {strides = array<i32>} : memref<80x32xf32, #tpu.memory_space<vmem>>, vector<1x16xf32>,
      %get3A_173 = vector.shape_cast %get3A_172 : vector<1x16xf32> to vector<16xf32>
      %add3A_174 = arith.addf %get3A_165, %get3A_173 : vector<16xf32>
      %swap3A_175 = arith.index_cast %add3A_71 : i32 to index
      %swap3A_176 = arith.constant 64 : index
      %swap3A_177 = tpu.vector_load %arg12[%swap3A_175, %swap3A_176] {strides = array<i32>} : memref<20x128xf32, #tpu.memory_space<vmem>>, vector<1x16xf32>,
      %swap3A_178 = vector.shape_cast %swap3A_177 : vector<1x16xf32> to vector<16xf32>
      %swap3A_179 = vector.shape_cast %add3A_174 : vector<16xf32> to vector<1x16xf32>
      tpu.vector_store %arg12[%swap3A_175, %swap3A_176], %swap3A_179 {strides = array<i32>} : memref<20x128xf32, #tpu.memory_space<vmem>>, vector<1x16xf32>,
      %mul3A_180 = arith.constant 4 : i32
      %mul3A_181 = arith.muli %mul3A_180, %add3A_71 : i32
      %add3A_182 = arith.constant 2 : i32
      %add3A_183 = arith.addi %mul3A_181, %add3A_182 : i32
      %get3A_184 = arith.index_cast %add3A_183 : i32 to index
      %get3A_185 = arith.constant 16 : index
      %get3A_186 = tpu.vector_load %arg8[%get3A_184, %get3A_185] {strides = array<i32>} : memref<80x32xf32, #tpu.memory_space<vmem>>, vector<1x16xf32>,
      %get3A_187 = vector.shape_cast %get3A_186 : vector<1x16xf32> to vector<16xf32>
      %mul3A_188 = arith.constant 4 : i32
      %mul3A_189 = arith.muli %mul3A_188, %add3A_71 : i32
      %add3A_190 = arith.constant 2 : i32
      %add3A_191 = arith.addi %mul3A_189, %add3A_190 : i32
      %get3A_192 = arith.index_cast %add3A_191 : i32 to index
      %get3A_193 = arith.constant 16 : index
      %get3A_194 = tpu.vector_load %arg10[%get3A_192, %get3A_193] {strides = array<i32>} : memref<80x32xf32, #tpu.memory_space<vmem>>, vector<1x16xf32>,
      %get3A_195 = vector.shape_cast %get3A_194 : vector<1x16xf32> to vector<16xf32>
      %add3A_196 = arith.addf %get3A_187, %get3A_195 : vector<16xf32>
      %swap3A_197 = arith.index_cast %add3A_71 : i32 to index
      %swap3A_198 = arith.constant 80 : index
      %swap3A_199 = tpu.vector_load %arg12[%swap3A_197, %swap3A_198] {strides = array<i32>} : memref<20x128xf32, #tpu.memory_space<vmem>>, vector<1x16xf32>,
      %swap3A_200 = vector.shape_cast %swap3A_199 : vector<1x16xf32> to vector<16xf32>
      %swap3A_201 = vector.shape_cast %add3A_196 : vector<16xf32> to vector<1x16xf32>
      tpu.vector_store %arg12[%swap3A_197, %swap3A_198], %swap3A_201 {strides = array<i32>} : memref<20x128xf32, #tpu.memory_space<vmem>>, vector<1x16xf32>,
      %mul3A_202 = arith.constant 4 : i32
      %mul3A_203 = arith.muli %mul3A_202, %add3A_71 : i32
      %add3A_204 = arith.constant 3 : i32
      %add3A_205 = arith.addi %mul3A_203, %add3A_204 : i32
      %get3A_206 = arith.index_cast %add3A_205 : i32 to index
      %get3A_207 = arith.constant 0 : index
      %get3A_208 = tpu.vector_load %arg8[%get3A_206, %get3A_207] {strides = array<i32>} : memref<80x32xf32, #tpu.memory_space<vmem>>, vector<1x16xf32>,
      %get3A_209 = vector.shape_cast %get3A_208 : vector<1x16xf32> to vector<16xf32>
      %mul3A_210 = arith.constant 4 : i32
      %mul3A_211 = arith.muli %mul3A_210, %add3A_71 : i32
      %add3A_212 = arith.constant 3 : i32
      %add3A_213 = arith.addi %mul3A_211, %add3A_212 : i32
      %get3A_214 = arith.index_cast %add3A_213 : i32 to index
      %get3A_215 = arith.constant 0 : index
      %get3A_216 = tpu.vector_load %arg10[%get3A_214, %get3A_215] {strides = array<i32>} : memref<80x32xf32, #tpu.memory_space<vmem>>, vector<1x16xf32>,
      %get3A_217 = vector.shape_cast %get3A_216 : vector<1x16xf32> to vector<16xf32>
      %add3A_218 = arith.addf %get3A_209, %get3A_217 : vector<16xf32>
      %swap3A_219 = arith.index_cast %add3A_71 : i32 to index
      %swap3A_220 = arith.constant 96 : index
      %swap3A_221 = tpu.vector_load %arg12[%swap3A_219, %swap3A_220] {strides = array<i32>} : memref<20x128xf32, #tpu.memory_space<vmem>>, vector<1x16xf32>,
      %swap3A_222 = vector.shape_cast %swap3A_221 : vector<1x16xf32> to vector<16xf32>
      %swap3A_223 = vector.shape_cast %add3A_218 : vector<16xf32> to vector<1x16xf32>
      tpu.vector_store %arg12[%swap3A_219, %swap3A_220], %swap3A_223 {strides = array<i32>} : memref<20x128xf32, #tpu.memory_space<vmem>>, vector<1x16xf32>,
      %mul3A_224 = arith.constant 4 : i32
      %mul3A_225 = arith.muli %mul3A_224, %add3A_71 : i32
      %add3A_226 = arith.constant 3 : i32
      %add3A_227 = arith.addi %mul3A_225, %add3A_226 : i32
      %get3A_228 = arith.index_cast %add3A_227 : i32 to index
      %get3A_229 = arith.constant 16 : index
      %get3A_230 = tpu.vector_load %arg8[%get3A_228, %get3A_229] {strides = array<i32>} : memref<80x32xf32, #tpu.memory_space<vmem>>, vector<1x16xf32>,
      %get3A_231 = vector.shape_cast %get3A_230 : vector<1x16xf32> to vector<16xf32>
      %mul3A_232 = arith.constant 4 : i32
      %mul3A_233 = arith.muli %mul3A_232, %add3A_71 : i32
      %add3A_234 = arith.constant 3 : i32
      %add3A_235 = arith.addi %mul3A_233, %add3A_234 : i32
      %get3A_236 = arith.index_cast %add3A_235 : i32 to index
      %get3A_237 = arith.constant 16 : index
      %get3A_238 = tpu.vector_load %arg10[%get3A_236, %get3A_237] {strides = array<i32>} : memref<80x32xf32, #tpu.memory_space<vmem>>, vector<1x16xf32>,
      %get3A_239 = vector.shape_cast %get3A_238 : vector<1x16xf32> to vector<16xf32>
      %add3A_240 = arith.addf %get3A_231, %get3A_239 : vector<16xf32>
      %swap3A_241 = arith.index_cast %add3A_71 : i32 to index
      %swap3A_242 = arith.constant 112 : index
      %swap3A_243 = tpu.vector_load %arg12[%swap3A_241, %swap3A_242] {strides = array<i32>} : memref<20x128xf32, #tpu.memory_space<vmem>>, vector<1x16xf32>,
      %swap3A_244 = vector.shape_cast %swap3A_243 : vector<1x16xf32> to vector<16xf32>
      %swap3A_245 = vector.shape_cast %add3A_240 : vector<16xf32> to vector<1x16xf32>
      tpu.vector_store %arg12[%swap3A_241, %swap3A_242], %swap3A_245 {strides = array<i32>} : memref<20x128xf32, #tpu.memory_space<vmem>>, vector<1x16xf32>,
    }
    %scan3A_48 = arith.constant 20 : i32
    %add3A_49 = arith.constant 2480 : i32
    %add3A_50 = arith.addi %mul3A_4, %add3A_49 : i32
    %dma_start3A_51 = arith.constant 0 : i32
    %dma_start3A_52 = tpu.memref_slice %arg5[%add3A_50, %dma_start3A_51] : memref<80000x128xf32, #tpu.memory_space<hbm>> -> memref<20x128xf32, #tpu.memory_space<hbm>>
    %dma_start3A_53 = arith.constant 0 : i32
    %dma_start3A_54 = tpu.memref_slice %arg5[%add3A_50, %dma_start3A_53] : memref<80000x128xf32, #tpu.memory_space<hbm>> -> memref<20x128xf32, #tpu.memory_space<hbm>>
    tpu.enqueue_dma source(%arg12 : memref<20x128xf32, #tpu.memory_space<vmem>>) target(%dma_start3A_54 : memref<20x128xf32, #tpu.memory_space<hbm>>) target_semaphore(%arg18 : memref<!tpu.dma_semaphore, #tpu.memory_space<semaphore_mem>>)
    %dma_wait3A_55 = arith.constant 0 : i32
    %dma_wait3A_56 = arith.constant 0 : i32
    %dma_wait3A_57 = tpu.memref_slice %arg5[%dma_wait3A_55, %dma_wait3A_56] : memref<80000x128xf32, #tpu.memory_space<hbm>> -> memref<20x128xf32, #tpu.memory_space<hbm>>
    %dma_wait3A_58 = arith.constant 0 : i32
    %dma_wait3A_59 = arith.constant 0 : i32
    %dma_wait3A_60 = tpu.memref_slice %arg5[%dma_wait3A_58, %dma_wait3A_59] : memref<80000x128xf32, #tpu.memory_space<hbm>> -> memref<20x128xf32, #tpu.memory_space<hbm>>
    tpu.wait_dma2 semaphore(%arg18 : memref<!tpu.dma_semaphore, #tpu.memory_space<semaphore_mem>>) src(%arg12 : memref<20x128xf32, #tpu.memory_space<vmem>>) dst(%dma_wait3A_60 : memref<20x128xf32, #tpu.memory_space<hbm>>)
    %dma_wait3A_61 = arith.constant 0 : i32
    %dma_wait3A_62 = arith.constant 0 : i32
    %dma_wait3A_63 = tpu.memref_slice %arg5[%dma_wait3A_61, %dma_wait3A_62] : memref<80000x128xf32, #tpu.memory_space<hbm>> -> memref<20x128xf32, #tpu.memory_space<hbm>>
    %dma_wait3A_64 = arith.constant 0 : i32
    %dma_wait3A_65 = arith.constant 0 : i32
    %dma_wait3A_66 = tpu.memref_slice %arg5[%dma_wait3A_64, %dma_wait3A_65] : memref<80000x128xf32, #tpu.memory_space<hbm>> -> memref<20x128xf32, #tpu.memory_space<hbm>>
    tpu.wait_dma2 semaphore(%arg19 : memref<!tpu.dma_semaphore, #tpu.memory_space<semaphore_mem>>) src(%arg13 : memref<20x128xf32, #tpu.memory_space<vmem>>) dst(%dma_wait3A_66 : memref<20x128xf32, #tpu.memory_space<hbm>>)
    return
  }
}

module attributes {stable_mosaic.version = 14 : i64} {
  func.func @body(%arg0: memref<10000x128xf32, #tpu.memory_space<vmem>>, %arg1: memref<128x32xf32, #tpu.memory_space<vmem>>, %arg2: memref<128x32xf32, #tpu.memory_space<vmem>>, %arg3: memref<10000x32xf32, #tpu.memory_space<vmem>>, %arg4: memref<10000x32xf32, #tpu.memory_space<vmem>>) attributes {dimension_semantics = [], scalar_prefetch = 0 : i64, scratch_operands = 0 : i64, tpu.core_type = #tpu.core_type<tc>} {
    %get3A = arith.constant 0 : index
    %get3A_0 = arith.constant 0 : index
    %get3A_1 = vector.load %arg0[%get3A, %get3A_0] : memref<10000x128xf32, #tpu.memory_space<vmem>>, vector<10000x128xf32>
    %get3A_2 = arith.constant 0 : index
    %get3A_3 = arith.constant 0 : index
    %get3A_4 = vector.load %arg1[%get3A_2, %get3A_3] : memref<128x32xf32, #tpu.memory_space<vmem>>, vector<128x32xf32>
    %dot_general3A = arith.constant dense<0.000000e+00> : vector<10000x32xf32>
    %dot_general3A_5 = tpu.matmul %get3A_1, %get3A_4, %dot_general3A {dimension_numbers = #tpu.dot_dimension_numbers<[1], [0], [0], [1], [0, 0, 1, 1], [], []>, transpose_lhs_hint = false} : vector<10000x128xf32>, vector<128x32xf32>, vector<10000x32xf32> -> vector<10000x32xf32>
    %swap3A = arith.constant 0 : index
    %swap3A_6 = arith.constant 0 : index
    %swap3A_7 = vector.load %arg3[%swap3A, %swap3A_6] : memref<10000x32xf32, #tpu.memory_space<vmem>>, vector<10000x32xf32>
    tpu.vector_store %arg3[%swap3A, %swap3A_6], %dot_general3A_5 {strides = array<i32>} : memref<10000x32xf32, #tpu.memory_space<vmem>>, vector<10000x32xf32>,
    %get3A_8 = arith.constant 0 : index
    %get3A_9 = arith.constant 0 : index
    %get3A_10 = vector.load %arg2[%get3A_8, %get3A_9] : memref<128x32xf32, #tpu.memory_space<vmem>>, vector<128x32xf32>
    %dot_general3A_11 = arith.constant dense<0.000000e+00> : vector<10000x32xf32>
    %dot_general3A_12 = tpu.matmul %get3A_1, %get3A_10, %dot_general3A_11 {dimension_numbers = #tpu.dot_dimension_numbers<[1], [0], [0], [1], [0, 0, 1, 1], [], []>, transpose_lhs_hint = false} : vector<10000x128xf32>, vector<128x32xf32>, vector<10000x32xf32> -> vector<10000x32xf32>
    %swap3A_13 = arith.constant 0 : index
    %swap3A_14 = arith.constant 0 : index
    %swap3A_15 = vector.load %arg4[%swap3A_13, %swap3A_14] : memref<10000x32xf32, #tpu.memory_space<vmem>>, vector<10000x32xf32>
    tpu.vector_store %arg4[%swap3A_13, %swap3A_14], %dot_general3A_12 {strides = array<i32>} : memref<10000x32xf32, #tpu.memory_space<vmem>>, vector<10000x32xf32>,
    return
  }
}

module attributes {stable_mosaic.version = 14 : i64} {
  func.func @body(%arg0: i32, %arg1: memref<8000x128xf32, #tpu.memory_space<vmem>>, %arg2: memref<8000x64xf32, #tpu.memory_space<vmem>>, %arg3: memref<64x128xf32, #tpu.memory_space<vmem>>, %arg4: memref<1x128xf32, #tpu.memory_space<vmem>>, %arg5: memref<128x16xf32, #tpu.memory_space<vmem>>, %arg6: memref<1x16xf32, #tpu.memory_space<vmem>>, %arg7: memref<8000x16xf32, #tpu.memory_space<vmem>>) attributes {dimension_semantics = [#tpu.dimension_semantics<arbitrary>], iteration_bounds = array<i64: 10>, scalar_prefetch = 0 : i64, scratch_operands = 0 : i64, tpu.core_type = #tpu.core_type<tc>, window_params = [{transform_indices = @transform_0, window_bounds = array<i64: 8000, 128>}, {transform_indices = @transform_1, window_bounds = array<i64: 8000, 64>}, {pipeline_mode = #tpu.pipeline_mode<synchronous>, transform_indices = @transform_2, window_bounds = array<i64: 64, 128>}, {pipeline_mode = #tpu.pipeline_mode<synchronous>, transform_indices = @transform_3, window_bounds = array<i64: 1, 128>}, {pipeline_mode = #tpu.pipeline_mode<synchronous>, transform_indices = @transform_4, window_bounds = array<i64: 128, 16>}, {pipeline_mode = #tpu.pipeline_mode<synchronous>, transform_indices = @transform_5, window_bounds = array<i64: 1, 16>}, {transform_indices = @transform_6, window_bounds = array<i64: 8000, 16>}]} {
    %get3A = arith.constant 0 : index
    %get3A_0 = arith.constant 0 : index
    %get3A_1 = vector.load %arg1[%get3A, %get3A_0] : memref<8000x128xf32, #tpu.memory_space<vmem>>, vector<8000x128xf32>
    %get3A_2 = arith.constant 0 : index
    %get3A_3 = arith.constant 0 : index
    %get3A_4 = vector.load %arg2[%get3A_2, %get3A_3] : memref<8000x64xf32, #tpu.memory_space<vmem>>, vector<8000x64xf32>
    %get3A_5 = arith.constant 0 : index
    %get3A_6 = arith.constant 0 : index
    %get3A_7 = vector.load %arg3[%get3A_5, %get3A_6] : memref<64x128xf32, #tpu.memory_space<vmem>>, vector<64x128xf32>
    %dot_general3A = arith.constant dense<0.000000e+00> : vector<8000x128xf32>
    %dot_general3A_8 = tpu.matmul %get3A_4, %get3A_7, %dot_general3A {dimension_numbers = #tpu.dot_dimension_numbers<[1], [0], [0], [1], [0, 0, 1, 1], [], []>, transpose_lhs_hint = false} : vector<8000x64xf32>, vector<64x128xf32>, vector<8000x128xf32> -> vector<8000x128xf32>
    %add3A = arith.addf %get3A_1, %dot_general3A_8 : vector<8000x128xf32>
    %get3A_9 = arith.constant 0 : index
    %get3A_10 = arith.constant 0 : index
    %get3A_11 = vector.load %arg4[%get3A_9, %get3A_10] : memref<1x128xf32, #tpu.memory_space<vmem>>, vector<1x128xf32>
    %add3A_12 = vector.broadcast %get3A_11 : vector<1x128xf32> to vector<8000x128xf32>
    %add3A_13 = arith.addf %add3A, %add3A_12 : vector<8000x128xf32>
    %logistic3A = arith.negf %add3A_13 : vector<8000x128xf32>
    %logistic3A_14 = math.exp %logistic3A : vector<8000x128xf32>
    %logistic3A_15 = arith.constant 1.000000e+00 : f32
    %logistic3A_16 = vector.broadcast %logistic3A_15 : f32 to vector<8000x128xf32>
    %logistic3A_17 = arith.addf %logistic3A_16, %logistic3A_14 : vector<8000x128xf32>
    %logistic3A_18 = arith.divf %logistic3A_16, %logistic3A_17 : vector<8000x128xf32>
    %mul3A = arith.mulf %add3A_13, %logistic3A_18 : vector<8000x128xf32>
    %get3A_19 = arith.constant 0 : index
    %get3A_20 = arith.constant 0 : index
    %get3A_21 = vector.load %arg5[%get3A_19, %get3A_20] : memref<128x16xf32, #tpu.memory_space<vmem>>, vector<128x16xf32>
    %dot_general3A_22 = arith.constant dense<0.000000e+00> : vector<8000x16xf32>
    %dot_general3A_23 = tpu.matmul %mul3A, %get3A_21, %dot_general3A_22 {dimension_numbers = #tpu.dot_dimension_numbers<[1], [0], [0], [1], [0, 0, 1, 1], [], []>, transpose_lhs_hint = false} : vector<8000x128xf32>, vector<128x16xf32>, vector<8000x16xf32> -> vector<8000x16xf32>
    %get3A_24 = arith.constant 0 : index
    %get3A_25 = arith.constant 0 : index
    %get3A_26 = vector.load %arg6[%get3A_24, %get3A_25] : memref<1x16xf32, #tpu.memory_space<vmem>>, vector<1x16xf32>
    %add3A_27 = vector.broadcast %get3A_26 : vector<1x16xf32> to vector<8000x16xf32>
    %add3A_28 = arith.addf %dot_general3A_23, %add3A_27 : vector<8000x16xf32>
    %logistic3A_29 = arith.negf %add3A_28 : vector<8000x16xf32>
    %logistic3A_30 = math.exp %logistic3A_29 : vector<8000x16xf32>
    %logistic3A_31 = arith.constant 1.000000e+00 : f32
    %logistic3A_32 = vector.broadcast %logistic3A_31 : f32 to vector<8000x16xf32>
    %logistic3A_33 = arith.addf %logistic3A_32, %logistic3A_30 : vector<8000x16xf32>
    %logistic3A_34 = arith.divf %logistic3A_32, %logistic3A_33 : vector<8000x16xf32>
    %mul3A_35 = arith.mulf %add3A_28, %logistic3A_34 : vector<8000x16xf32>
    %swap3A = arith.constant 0 : index
    %swap3A_36 = arith.constant 0 : index
    %swap3A_37 = vector.load %arg7[%swap3A, %swap3A_36] : memref<8000x16xf32, #tpu.memory_space<vmem>>, vector<8000x16xf32>
    tpu.vector_store %arg7[%swap3A, %swap3A_36], %mul3A_35 {strides = array<i32>} : memref<8000x16xf32, #tpu.memory_space<vmem>>, vector<8000x16xf32>,
    return
  }
  func.func @transform_0(%arg0: i32) -> (i32, i32) {
    %c0_i32 = arith.constant 0 : i32
    %c0_i32_0 = arith.constant 0 : i32
    return %arg0, %c0_i32 : i32, i32
  }
  func.func @transform_1(%arg0: i32) -> (i32, i32) {
    %c0_i32 = arith.constant 0 : i32
    %c0_i32_0 = arith.constant 0 : i32
    return %arg0, %c0_i32 : i32, i32
  }
  func.func @transform_2(%arg0: i32) -> (i32, i32) {
    %c0_i32 = arith.constant 0 : i32
    %c0_i32_0 = arith.constant 0 : i32
    %c0_i32_1 = arith.constant 0 : i32
    return %c0_i32, %c0_i32_0 : i32, i32
  }
  func.func @transform_3(%arg0: i32) -> (i32, i32) {
    %c0_i32 = arith.constant 0 : i32
    %c0_i32_0 = arith.constant 0 : i32
    %c0_i32_1 = arith.constant 0 : i32
    return %c0_i32, %c0_i32_0 : i32, i32
  }
  func.func @transform_4(%arg0: i32) -> (i32, i32) {
    %c0_i32 = arith.constant 0 : i32
    %c0_i32_0 = arith.constant 0 : i32
    %c0_i32_1 = arith.constant 0 : i32
    return %c0_i32, %c0_i32_0 : i32, i32
  }
  func.func @transform_5(%arg0: i32) -> (i32, i32) {
    %c0_i32 = arith.constant 0 : i32
    %c0_i32_0 = arith.constant 0 : i32
    %c0_i32_1 = arith.constant 0 : i32
    return %c0_i32, %c0_i32_0 : i32, i32
  }
  func.func @transform_6(%arg0: i32) -> (i32, i32) {
    %c0_i32 = arith.constant 0 : i32
    %c0_i32_0 = arith.constant 0 : i32
    return %arg0, %c0_i32 : i32, i32
  }
}

module attributes {stable_mosaic.version = 14 : i64} {
  func.func @body(%arg0: memref<10000x128xf32, #tpu.memory_space<vmem>>, %arg1: memref<128x10000xf32, #tpu.memory_space<vmem>>, %arg2: memref<128x32xf32, #tpu.memory_space<vmem>>, %arg3: memref<128x32xf32, #tpu.memory_space<vmem>>, %arg4: memref<1x32xf32, #tpu.memory_space<vmem>>, %arg5: memref<32x128xf32, #tpu.memory_space<vmem>>, %arg6: memref<1x128xf32, #tpu.memory_space<vmem>>, %arg7: memref<10000x128xf32, #tpu.memory_space<vmem>>) attributes {dimension_semantics = [], scalar_prefetch = 0 : i64, scratch_operands = 0 : i64, tpu.core_type = #tpu.core_type<tc>} {
    %get3A = arith.constant 0 : index
    %get3A_0 = arith.constant 0 : index
    %get3A_1 = vector.load %arg0[%get3A, %get3A_0] : memref<10000x128xf32, #tpu.memory_space<vmem>>, vector<10000x128xf32>
    %get3A_2 = arith.constant 0 : index
    %get3A_3 = arith.constant 0 : index
    %get3A_4 = vector.load %arg2[%get3A_2, %get3A_3] : memref<128x32xf32, #tpu.memory_space<vmem>>, vector<128x32xf32>
    %dot_general3A = arith.constant dense<0.000000e+00> : vector<10000x32xf32>
    %dot_general3A_5 = tpu.matmul %get3A_1, %get3A_4, %dot_general3A {dimension_numbers = #tpu.dot_dimension_numbers<[1], [0], [0], [1], [0, 0, 1, 1], [], []>, transpose_lhs_hint = false} : vector<10000x128xf32>, vector<128x32xf32>, vector<10000x32xf32> -> vector<10000x32xf32>
    %get3A_6 = arith.constant 0 : index
    %get3A_7 = arith.constant 0 : index
    %get3A_8 = vector.load %arg1[%get3A_6, %get3A_7] : memref<128x10000xf32, #tpu.memory_space<vmem>>, vector<128x10000xf32>
    %get3A_9 = arith.constant 0 : index
    %get3A_10 = arith.constant 0 : index
    %get3A_11 = vector.load %arg3[%get3A_9, %get3A_10] : memref<128x32xf32, #tpu.memory_space<vmem>>, vector<128x32xf32>
    %dot_general3A_12 = arith.constant dense<0.000000e+00> : vector<10000x32xf32>
    %dot_general3A_13 = tpu.matmul %get3A_8, %get3A_11, %dot_general3A_12 {dimension_numbers = #tpu.dot_dimension_numbers<[0], [0], [1], [1], [0, 1, 1, 1], [], []>, transpose_lhs_hint = false} : vector<128x10000xf32>, vector<128x32xf32>, vector<10000x32xf32> -> vector<10000x32xf32>
    %add3A = arith.addf %dot_general3A_5, %dot_general3A_13 : vector<10000x32xf32>
    %get3A_14 = arith.constant 0 : index
    %get3A_15 = arith.constant 0 : index
    %get3A_16 = vector.load %arg4[%get3A_14, %get3A_15] : memref<1x32xf32, #tpu.memory_space<vmem>>, vector<1x32xf32>
    %add3A_17 = vector.broadcast %get3A_16 : vector<1x32xf32> to vector<10000x32xf32>
    %add3A_18 = arith.addf %add3A, %add3A_17 : vector<10000x32xf32>
    %logistic3A = arith.negf %add3A_18 : vector<10000x32xf32>
    %logistic3A_19 = math.exp %logistic3A : vector<10000x32xf32>
    %logistic3A_20 = arith.constant 1.000000e+00 : f32
    %logistic3A_21 = vector.broadcast %logistic3A_20 : f32 to vector<10000x32xf32>
    %logistic3A_22 = arith.addf %logistic3A_21, %logistic3A_19 : vector<10000x32xf32>
    %logistic3A_23 = arith.divf %logistic3A_21, %logistic3A_22 : vector<10000x32xf32>
    %mul3A = arith.mulf %add3A_18, %logistic3A_23 : vector<10000x32xf32>
    %get3A_24 = arith.constant 0 : index
    %get3A_25 = arith.constant 0 : index
    %get3A_26 = vector.load %arg5[%get3A_24, %get3A_25] : memref<32x128xf32, #tpu.memory_space<vmem>>, vector<32x128xf32>
    %dot_general3A_27 = arith.constant dense<0.000000e+00> : vector<10000x128xf32>
    %dot_general3A_28 = tpu.matmul %mul3A, %get3A_26, %dot_general3A_27 {dimension_numbers = #tpu.dot_dimension_numbers<[1], [0], [0], [1], [0, 0, 1, 1], [], []>, transpose_lhs_hint = false} : vector<10000x32xf32>, vector<32x128xf32>, vector<10000x128xf32> -> vector<10000x128xf32>
    %get3A_29 = arith.constant 0 : index
    %get3A_30 = arith.constant 0 : index
    %get3A_31 = vector.load %arg6[%get3A_29, %get3A_30] : memref<1x128xf32, #tpu.memory_space<vmem>>, vector<1x128xf32>
    %add3A_32 = vector.broadcast %get3A_31 : vector<1x128xf32> to vector<10000x128xf32>
    %add3A_33 = arith.addf %dot_general3A_28, %add3A_32 : vector<10000x128xf32>
    %logistic3A_34 = arith.negf %add3A_33 : vector<10000x128xf32>
    %logistic3A_35 = math.exp %logistic3A_34 : vector<10000x128xf32>
    %logistic3A_36 = arith.constant 1.000000e+00 : f32
    %logistic3A_37 = vector.broadcast %logistic3A_36 : f32 to vector<10000x128xf32>
    %logistic3A_38 = arith.addf %logistic3A_37, %logistic3A_35 : vector<10000x128xf32>
    %logistic3A_39 = arith.divf %logistic3A_37, %logistic3A_38 : vector<10000x128xf32>
    %mul3A_40 = arith.mulf %add3A_33, %logistic3A_39 : vector<10000x128xf32>
    %swap3A = arith.constant 0 : index
    %swap3A_41 = arith.constant 0 : index
    %swap3A_42 = vector.load %arg7[%swap3A, %swap3A_41] : memref<10000x128xf32, #tpu.memory_space<vmem>>, vector<10000x128xf32>
    tpu.vector_store %arg7[%swap3A, %swap3A_41], %mul3A_40 {strides = array<i32>} : memref<10000x128xf32, #tpu.memory_space<vmem>>, vector<10000x128xf32>,
    return
  }
}

</mosaic_0001>

<sc_bundles>
// kernel: kernel.10.cloned.1.call-start
scs
__scs_entry_jumppad:
0x0: {  	(pc) =	sbr.rel $0x88, $3  }
0x1: {  	(tag) =	ssettag $0x0;
	lr =	simm.s32 $0x1  }
0x2: {  	[smem:$0x3F96] =	sst lr;
	_ =	strace $0xD0000000  }
0x3: {  	_ = 	snop  }
0x4: {  	_ = 	snop  }
0x5: {  	_ = 	snop  }
0x6: {  	_ = 	snop  }
0x7: {  	_ = 	snop  }
__scs_overlays_trampoline_lowered:
0x8: {  	[smem:$0x3FA5] =	sst s0  }
0x9: {  	[smem:$0x3FA6] =	sst s1  }
0xa: {  	[smem:$0x3FA7] =	sst s2  }
0xb: {  	[smem:$0x3FA8] =	sst s3  }
0xc: {  	[smem:$0x3FA9] =	sst s4  }
0xd: {  	[smem:$0x3FAA] =	sst s5  }
0xe: {  	[smem:$0x3FAB] =	sst s6  }
0xf: {  	[smem:$0x3FAC] =	sst s7  }
0x10: {  	[smem:$0x3FAD] =	sst s8  }
0x11: {  	[smem:$0x3FAE] =	sst s9;
	s0 =	simm.s32 @!p0 $0x0  }
0x12: {  	s1 =	sld [smem:$0x3F94];
	s0 =	simm.s32 @p0 $0x1  }
0x13: {  	[smem:$0x3FAF] =	sst s0;
	s0 =	simm.s32 @!p1 $0x0  }
0x14: {  	s2 =	sld [smem:$0x3F93];
	s0 =	simm.s32 @p1 $0x1  }
0x15: {  	[smem:$0x3FB0] =	sst s0;
	s0 =	simm.s32 @!p2 $0x0  }
0x16: {  	s3 =	sld [smem:$0x3FDB];
	s0 =	simm.s32 @p2 $0x1  }
0x17: {  	s4 =	simm.s32 $0x1BF5;
	[smem:$0x3FB2] =	sst s0  }
0x18: {  	s0 =	sld [smem:$0x3F95];
	_ =	swait.ge [sflag:s4], $0x0  }
0x19: {  	s7 =	sld [smem:$0x3F96]  }
0x1a: {  	s8 =	sadd.s32 $0xFFFFE003, lr  }
0x1b: {  	s9 =	sadd.s32 $0xFFFFFEF7, lr;
	s5 =	simm.s32 $0xFFFFFFFF;
	p2 =	slt.u32 s8, $0xFFFFF086  }
0x1c: {  	p1 =	slt.u32 s9, $0xF7A;
	s5 =	simm.s32 @!p2 $0x0  }
0x1d: {  	s5 =	simm.s32 @p1 $0x1;
	p0 =	seq.s32 s7, s2  }
0x1e: {  	s7 =	smul.u32 @!p0 $0xF7A, s2;
	p2 =	seq.s32 @!p0 s5, $0x0  }
0x1f: {  	s9 =	smul.u32 $0xF7A, s1;
	s8 =	simm.s32 @!p0 $0x1BF5;
	p2 =	por !p2, p0  }
0x20: {  	[sflag:s8] =	ssyncset.s32 @!p0 $0xFFFFF086;
	s6 =	sadd.s32 @!p0 s3, s7;
	s7 =	simm.s32 @!p0 $0x108  }
0x21: {  	s3 =	sadd.s32 s3, s9;
	s6 =	sadd.s32 @!p0 $0x88, s6;
	s7 =	simm.s32 @p2 $0x1082  }
0x22: {  	[simem:s7], [sflag:s8] =	dma.local @!p0 [hbm:s6], $0xF7A  }
0x23: {  	s9 =	sor.u32 $0xD0000000, s2;
	s6 =	simm.s32 $0x108;
	_ =	swait.ge @!p0 [sflag:s8], $0x0  }
0x24: {  	s3 =	sadd.s32 $0x88, s3;
	s6 =	simm.s32 @!p1 $0x1082;
	[sflag:s4] =	ssyncset.s32 $0xFFFFF086  }
0x25: {  	[simem:s6], [sflag:s4] =	dma.local [hbm:s3], $0xF7A  }
0x26: {  	[smem:$0x3F96] =	sst s1;
	(tag) =	ssettag s2;
	_ =	strace s9  }
0x27: {  	s1 =	sld [smem:$0x3FA6]  }
0x28: {  	s2 =	sld [smem:$0x3FA7]  }
0x29: {  	s4 =	sld [smem:$0x3FA9]  }
0x2a: {  	p0 =	seq.s32 s5, $0x0;
	s5 =	sld [smem:$0x3FAA]  }
0x2b: {  	s6 =	sld [smem:$0x3FAB]  }
0x2c: {  	s7 =	sld [smem:$0x3FAC]  }
0x2d: {  	s3 =	simm.s32 $0x108;
	s8 =	sld [smem:$0x3FAD]  }
0x2e: {  	s3 =	simm.s32 @!p0 $0x1082;
	s9 =	sld [smem:$0x3FAE]  }
0x2f: {  	lr =	sadd.s32 s0, s3;
	s0 =	sld [smem:$0x3FA5]  }
0x30: {  	s3 =	sld [smem:$0x3FA8]  }
0x31: {  	[smem:$0x3FB1] =	sst s10  }
0x32: {  	s10 =	sld [smem:$0x3FAF];
	_ =	sdelay $0x3  }
0x33: {  	p0 =	seq.s32 s10, $0x1;
	s10 =	sld [smem:$0x3FB1];
	_ =	sdelay $0x3  }
0x34: {  	[smem:$0x3FB1] =	sst s10  }
0x35: {  	s10 =	sld [smem:$0x3FB0];
	_ =	sdelay $0x3  }
0x36: {  	p1 =	seq.s32 s10, $0x1;
	s10 =	sld [smem:$0x3FB1];
	_ =	sdelay $0x3  }
0x37: {  	[smem:$0x3FB1] =	sst s10  }
0x38: {  	s10 =	sld [smem:$0x3FB2]  }
0x39: {  	_ = 	snop;
	(pc) =	sbr.ind lr, $3  }
0x3a: {  	_ = 	snop  }
0x3b: {  	_ = 	snop  }
0x3c: {  	p2 =	seq.s32 s10, $0x1;
	s10 =	sld [smem:$0x3FB1]  }
0x3d: {  	_ =	shalt  }
0x3e: {  	_ =	shalt  }
0x3f: {  	_ =	shalt  }
0x40: {  	_ =	shalt  }
0x41: {  	_ =	shalt  }
0x42: {  	_ =	shalt  }
0x43: {  	_ =	shalt  }
0x44: {  	_ =	shalt  }
0x45: {  	_ =	shalt  }
0x46: {  	_ =	shalt  }
0x47: {  	_ =	shalt  }
0x48: {  	_ =	shalt  }
0x49: {  	_ =	shalt  }
0x4a: {  	_ =	shalt  }
0x4b: {  	_ =	shalt  }
0x4c: {  	_ =	shalt  }
0x4d: {  	_ =	shalt  }
0x4e: {  	_ =	shalt  }
0x4f: {  	_ =	shalt  }
0x50: {  	_ =	shalt  }
0x51: {  	_ =	shalt  }
0x52: {  	_ =	shalt  }
0x53: {  	_ =	shalt  }
0x54: {  	_ =	shalt  }
0x55: {  	_ =	shalt  }
0x56: {  	_ =	shalt  }
0x57: {  	_ =	shalt  }
0x58: {  	_ =	shalt  }
0x59: {  	_ =	shalt  }
0x5a: {  	_ =	shalt  }
0x5b: {  	_ =	shalt  }
0x5c: {  	_ =	shalt  }
0x5d: {  	_ =	shalt  }
0x5e: {  	_ =	shalt  }
0x5f: {  	_ =	shalt  }
0x60: {  	_ =	shalt  }
0x61: {  	_ =	shalt  }
0x62: {  	_ =	shalt  }
0x63: {  	_ =	shalt  }
0x64: {  	_ =	shalt  }
0x65: {  	_ =	shalt  }
0x66: {  	_ =	shalt  }
0x67: {  	_ =	shalt  }
0x68: {  	_ =	shalt  }
0x69: {  	_ =	shalt  }
0x6a: {  	_ =	shalt  }
0x6b: {  	_ =	shalt  }
0x6c: {  	_ =	shalt  }
0x6d: {  	_ =	shalt  }
0x6e: {  	_ =	shalt  }
0x6f: {  	_ =	shalt  }
0x70: {  	_ =	shalt  }
0x71: {  	_ =	shalt  }
0x72: {  	_ =	shalt  }
0x73: {  	_ =	shalt  }
0x74: {  	_ =	shalt  }
0x75: {  	_ =	shalt  }
0x76: {  	_ =	shalt  }
0x77: {  	_ =	shalt  }
0x78: {  	_ =	shalt  }
0x79: {  	_ =	shalt  }
0x7a: {  	_ =	shalt  }
0x7b: {  	_ =	shalt  }
0x7c: {  	_ =	shalt  }
0x7d: {  	_ =	shalt  }
0x7e: {  	_ =	shalt  }
0x7f: {  	_ =	shalt  }
0x80: {  	_ =	shalt  }
0x81: {  	_ =	shalt  }
0x82: {  	_ =	shalt  }
0x83: {  	_ =	shalt  }
0x84: {  	_ =	shalt  }
0x85: {  	_ =	shalt  }
0x86: {  	_ =	shalt  }
0x87: {  	_ =	shalt  }
.Lfunc_end0:
.L_simem_size_0:
called_computation.1_lowered:
.L_overlay_start_0:
0x88: {  	s2 =	sld [smem:$0x3FD9]  }
0x89: {  	s3 =	sld [smem:$0x3FFE];
	_ =	sdelay $0x1  }
0x8a: {  	s1 =	srdreg.scid  }
0x8b: {  	s0 =	sand.u32 $0x1, s1  }
0x8c: {  	s17 =	sshll.u32 s0, $0xA;
	s2 =	sadd.s32 s3, s2  }
0x8d: {  	s2 =	sadd.s32 s2, s17  }
0x8e: {  	[smem:$0x3FBD] =	sst s2  }
0x8f: {  	_ = 	snop  }
0x90: {  	s2 =	sld [smem:$0x3FD0];
	(tm) =	ssettm $0x1  }
0x91: {  	s18 =	sld [smem:$0x3FFB];
	_ =	sdelay $0x3  }
0x92: {  	_ =	strace s18  }
0x93: {  	s3 =	sld [smem:$0x3FFC];
	_ =	sdelay $0x3  }
0x94: {  	_ =	strace s3  }
0x95: {  	s3 =	sld [smem:$0x3FFD];
	_ =	sdelay $0x3  }
0x96: {  	_ =	strace s3  }
0x97: {  	_ =	strace $0x8FFFFFFF  }
0x98: {  	s19 =	sld [smem:$0x3FDB];
	_ =	sdelay $0x1  }
0x99: {  	s4 =	simm.s32 $_scs_section_size  }
0x9a: {  	s5 =	simm.s32 $_size__tile_overlayer_lowered;
	s6 =	simm.s32 $_tile_overlayer_lowered  }
0x9b: {  	s22 =	simm.s32 $0x1BFF;
	s21 =	sshll.u32 s6, $0x1;
	s3 =	sadd.s32 s4, s19  }
0x9c: {  	s7 =	simm.s32 $0x0;
	s20 =	sshll.u32 s5, $0x1;
	s5 =	sadd.s32 s21, s3  }
0x9d: {  	[timem:s7], [sflag:s22] =	dma.local [hbm:s5], s20  }
0x9e: {  	_ =	swait.ge [sflag:s22], s20  }
0x9f: {  	s4 =	ssub.s32 $0x0, s20;
	[sflag:s22] =	ssyncset.done $0x0  }
0xa0: {  	[sflag:s22] =	ssyncadd.s32 s4;
	_ =	sdelay $0x1  }
0xa1: {  	s23 =	simm.s32 $0x1B8B  }
0xa2: {  	_ =	swait.ge [sflag:s23], $0x1  }
0xa3: {  	[sflag:s23] =	ssyncset.done $0x0  }
0xa4: {  	s25 =	simm.s32 $0x1B8E;
	s24 =	sld [smem:$0x3FFE];
	[sflag:s23] =	ssyncadd.s32 $0xFFFFFFFF  }
0xa5: {  	s26 =	simm.s32 $execute0_lowered;
	[smem:$0x3FD2] =	sst s25  }
0xa6: {  	s5 =	sshll.u32 s26, $0x1;
	_ =	strace $0x80000049;
	[dreg:$0x1] =	wrdreg $0xFFFFFFFF  }
0xa7: {  	s28 =	simm.s32 $_size_execute0_lowered;
	s3 =	sadd.s32 s3, s5;
	[dreg:$0x0] =	wrdreg $0x0  }
0xa8: {  	s5 =	sshll.u32 s28, $0x1;
	[dreg:$0x2] =	wrdreg s3  }
0xa9: {  	[dreg:$0x3] =	wrdreg s5  }
0xaa: {  	[dreg:$0x4] =	wrdreg $0xC0  }
0xab: {  	_ =	task [dreg:s7], $0x5FFFF  }
0xac: {  	[dreg:$0x1] =	wrdreg $0xFFFFFFFF  }
0xad: {  	[dreg:$0x0] =	wrdreg $0x60  }
0xae: {  	[dreg:$0x2] =	wrdreg s24  }
0xaf: {  	[dreg:$0x3] =	wrdreg s2  }
0xb0: {  	[dreg:$0x4] =	wrdreg $0x9  }
0xb1: {  	_ =	task.clear_ibuf [dreg:s7], $0x5FFFF;
	_ =	strace $0x90000049  }
0xb2: {  	s29 =	simm.s32 $0x9;
	_ =	strace $0x8000004B  }
0xb3: {  	_ =	swait.ge [sflag:s29], $0x1  }
0xb4: {  	[sflag:s29] =	ssyncadd.s32 $0xFFFFFFFF  }
0xb5: {  	_ =	strace $0x9000004B  }
0xb6: {  	_ =	sfence  }
0xb7: {  	s30 =	sld [smem:$0x0];
	_ =	sdelay $0x2  }
0xb8: {  	s31 =	sshll.u32 s1, $0xD;
	s1 =	sshrl.u32 s1, $0x2  }
0xb9: {  	s3 =	sand.u32 $0x4000, s31;
	s1 =	sadd.s32 s1, s30  }
0xba: {  	s0 =	sor.u32 s3, s0;
	s1 =	sshll.u32 s1, $0x11  }
0xbb: {  	s0 =	sor.u32 s1, s0  }
0xbc: {  	s0 =	sadd.s32 $0x8F2B, s0  }
0xbd: {  	[sflag:s0] =	ssyncadd.remote.s32 $0x1  }
0xbe: {  	_ =	sfence.sel $0xFFFF  }
0xbf: {  	[dreg:$0x0] =	wrdreg $0xFFFFFFFF;
	(pc) =	sbr.abs _section_cstart, $3  }
0xc0: {  	[dreg:$0x1] =	wrdreg $0xFFFFFFFF  }
0xc1: {  	_ =	task.clear_ibuf [dreg:s7], $0x2FFFF;
	_ =	strace $0x9FFFFFFF  }
0xc2: {  	(tm) =	ssettm $0x7FFFFFFF  }
0xc3: {  	_ =	shalt  }
tec
execute0_lowered:
.L_overlay_start_1:
0x0: {  	(tag) =	ssettag $0x1  }
0x1: {  	s5 =	rddreg [dreg:$0x0]  }
0x2: {  	s1 =	srdreg.scid;
	s0 =	stileid.u32  }
0x3: {  	s2 =	rddreg [dreg:$0x1];
	s3 =	simm.s32 $0x0;
	s13 =	simm.s32 $0x9C40  }
0x4: {  	s14 =	simm.s32 $0xA410;
	s15 =	simm.s32 $0xA028;
	s16 =	simm.s32 $0xB3B0  }
0x5: {  	s17 =	simm.s32 $0x1;
	s18 =	simm.s32 $0x2;
	s19 =	simm.s32 $0x3  }
0x6: {  	s4 =	sand.u32 $0x1, s1;
	s6 =	sshll.u32 s0, $0x1;
	s1 =	rddreg [dreg:$0x2]  }
0x7: {  	s20 =	simm.s32 $0x0;
	[smem:$0x7FF] =	sst s3;
	s6 =	sor.u32 s4, s6  }
0x8: {  	_ =	strace $0x8000004A;
	s8 =	ssub.s32 $0x2, s4;
	s7 =	smul.u32 $0x1388, s6  }
0x9: {  	vm2 =	vcmask $0x3F30;
	s4 =	sadd.s32 $0x4400, s5;
	s10 =	smul.u32 $0x2710, s6;
	s29 =	sshrl.u32 s8, $0x1  }
.Ltmp0:
0xa: {  	s12 =	ssub.s32 s8, s29;
	s11 =	sadd.s32 s7, s5;
	(pc) =	sbr.rel .LBB2_1-.Ltmp0, $4  }
0xb: {  	s30 =	sshrl.u32 s10, $0x3;
	s6 =	sadd.s32 $0x3E8, s10;
	s12 =	smax.u32 s12, $0x1  }
0xc: {  	v1 =	vlaneseq.u32;
	s5 =	sadd.s32 s4, s30;
	s31 =	sshrl.u32 s6, $0x3;
	s9 =	sshrl.u32 s6, $0x1  }
0xd: {  	v0 =	vimm.f32 $0.0e+00;
	vm0 =	vcmask $0x1F10;
	v2 =	vand.u32 $0x3, v1;
	s6 =	sadd.s32 s2, s7;
	s11 =	sadd.s32 $0x17E00, s11;
	s7 =	sadd.s32 s4, s31  }
0xe: {  	vm1 =	vcmask $0x2F20;
	v1 =	vshrl.u32 v1, $0x2;
	v2 =	vmul.u32 $0x2710, v2;
	s8 =	sadd.s32 s2, s9;
	s9 =	sadd.s32 $0x7D0, s10;
	s10 =	sadd.s32 $0xBB8, s10  }
.LBB2_10:
0xf: {  	s20 =	sadd.s32 $0x1, s20  }
0x10: {  	p0 =	sne.s32 s20, s12  }
.Ltmp1:
0x11: {  	_ = 	snop;
	(pc) =	sbr.rel @!p0 .LBB2_11-.Ltmp1, $4  }
0x12: {  	[hbm4b:s11+s3] =	stream.linear.scatter [tilespmem:s3], [sflag:$0x3], $0x9C40, $0x38;
	[tilespmem:$0xC350] =	vst v63  }
0x13: {  	_ =	swait.ge [sflag:s19], $0x9C40  }
0x14: {  	[sflag:s19] =	ssyncset.done $0x0  }
0x15: {  	[sflag:s19] =	ssyncadd.s32 $0xFFFF63C0  }
.LBB2_1:
0x16: {  	[tilespmem:s13], [sflag:$0x1] =	stream.linear.gather [hbm4b:s5+s3], $0x3E8, $0x38;
	[tilespmem:$0xC350] =	vst v63  }
0x17: {  	_ = 	snop  }
0x18: {  	[tilespmem:s14], [sflag:$0x1] =	stream.linear.gather [hbm4b:s6+s3], $0xFA0, $0x38;
	[tilespmem:$0xC350] =	vst v63  }
0x19: {  	_ = 	snop  }
0x1a: {  	[tilespmem:s15], [sflag:$0x2] =	stream.linear.gather [hbm4b:s7+s3], $0x3E8, $0x38;
	[tilespmem:$0xC350] =	vst v63  }
0x1b: {  	s22 =	simm.s32 $0x0;
	s21 =	simm.s32 $0x140  }
0x1c: {  	[tilespmem:s16], [sflag:$0x2] =	stream.linear.gather [hbm4b:s8+s3], $0xFA0, $0x38;
	[tilespmem:$0xC350] =	vst v63  }
.LBB2_2:
0x1d: {  	p0 =	sne.s32 s21, $0x9B00;
	[tilespmem:s22+$0x7570] =	vst v0  }
0x1e: {  	[tilespmem:s22+$0x0] =	vst v0  }
0x1f: {  	[tilespmem:s22+$0x10] =	vst v0  }
0x20: {  	[tilespmem:s22+$0x20] =	vst v0  }
0x21: {  	[tilespmem:s22+$0x30] =	vst v0  }
0x22: {  	[tilespmem:s22+$0x40] =	vst v0  }
0x23: {  	[tilespmem:s22+$0x2710] =	vst v0  }
0x24: {  	[tilespmem:s22+$0x2720] =	vst v0  }
0x25: {  	[tilespmem:s22+$0x2730] =	vst v0  }
0x26: {  	[tilespmem:s22+$0x2740] =	vst v0  }
0x27: {  	[tilespmem:s22+$0x2750] =	vst v0  }
0x28: {  	[tilespmem:s22+$0x4E20] =	vst v0  }
0x29: {  	[tilespmem:s22+$0x4E30] =	vst v0  }
0x2a: {  	[tilespmem:s22+$0x4E40] =	vst v0  }
0x2b: {  	[tilespmem:s22+$0x4E50] =	vst v0  }
.Ltmp2:
0x2c: {  	[tilespmem:s22+$0x4E60] =	vst v0;
	(pc) =	sbr.rel @p0 .LBB2_2-.Ltmp2, $4  }
0x2d: {  	[tilespmem:s22+$0x7530] =	vst v0  }
0x2e: {  	[tilespmem:s22+$0x7540] =	vst v0  }
0x2f: {  	[tilespmem:s22+$0x7550] =	vst v0  }
0x30: {  	[tilespmem:s22+$0x7560] =	vst v0;
	s22 =	sshra.s32 s21, $0x2;
	s21 =	sadd.s32 $0x140, s21  }
0x31: {  	[tilespmem:s22+$0x7570] =	vst v0  }
0x32: {  	[tilespmem:s22+$0x0] =	vst v0  }
0x33: {  	[tilespmem:s22+$0x10] =	vst v0  }
0x34: {  	[tilespmem:s22+$0x20] =	vst v0  }
0x35: {  	[tilespmem:s22+$0x30] =	vst v0  }
0x36: {  	[tilespmem:s22+$0x40] =	vst v0  }
0x37: {  	[tilespmem:s22+$0x2710] =	vst v0  }
0x38: {  	[tilespmem:s22+$0x2720] =	vst v0  }
0x39: {  	[tilespmem:s22+$0x2730] =	vst v0  }
0x3a: {  	[tilespmem:s22+$0x2740] =	vst v0  }
0x3b: {  	[tilespmem:s22+$0x2750] =	vst v0  }
0x3c: {  	[tilespmem:s22+$0x4E20] =	vst v0  }
0x3d: {  	[tilespmem:s22+$0x4E30] =	vst v0  }
0x3e: {  	[tilespmem:s22+$0x4E40] =	vst v0  }
0x3f: {  	[tilespmem:s22+$0x4E50] =	vst v0  }
0x40: {  	[tilespmem:s22+$0x4E60] =	vst v0  }
0x41: {  	[tilespmem:s22+$0x7530] =	vst v0  }
0x42: {  	[tilespmem:s22+$0x7540] =	vst v0  }
0x43: {  	[tilespmem:s22+$0x7550] =	vst v0  }
0x44: {  	s21 =	simm.s32 $0x0;
	[tilespmem:s22+$0x7560] =	vst v0;
	s22 =	simm.s32 $0x0  }
.LBB2_4:
0x45: {  	_ =	swait.ge [sflag:s17], $0x3E8  }
0x46: {  	v3 =	vor.u32 s21, v1;
	[sflag:s17] =	ssyncset.done $0x0  }
0x47: {  	[sflag:s17] =	ssyncadd.s32 $0xFFFFFC18  }
0x48: {  	_ =	swait.ge [sflag:s17], $0xFA0  }
0x49: {  	[sflag:s17] =	ssyncset.done $0x0  }
0x4a: {  	[sflag:s17] =	ssyncadd.s32 $0xFFFFF060  }
0x4b: {  	v4 =	vld.idx.msk [tilespmem:v3+s13+$0x0], $0xffff;
	_ =	sdelay $0x3  }
0x4c: {  	s23 =	simm.s32 $0xA410  }
0x4d: {  	v3 =	vld [tilespmem:s23+$0x0];
	v4 =	vadd.s32 v2, v4;
	_ =	sdelay $0x2  }
0x4e: {  	s24 =	simm.s32 $0x4  }
0x4f: {  	v5 =	vor.u32 s24, v1  }
0x50: {  	[tilespmem:v4+s3+$0x0] =	vst.idx.add.f32.msk $0xf, v3  }
0x51: {  	[tilespmem:v4+s3+$0x0] =	vst.idx.add.f32.msk vm0, v3  }
0x52: {  	s24 =	simm.s32 $0x8;
	[tilespmem:v4+s3+$0x0] =	vst.idx.add.f32.msk vm1, v3  }
.LBB2_5:
0x53: {  	p0 =	sne.s32 s24, $0x3E4;
	[tilespmem:v4+s3+$0x0] =	vst.idx.add.f32.msk vm2, v3  }
0x54: {  	s23 =	sadd.s32 $0x10, s23;
	v4 =	vld.idx.msk [tilespmem:v5+s13+$0x0], $0xffff  }
0x55: {  	v3 =	vld [tilespmem:s23+$0x0];
	_ =	sdelay $0x4  }
0x56: {  	v4 =	vadd.s32 v2, v4;
	_ =	sdelay $0x2  }
.Ltmp3:
0x57: {  	(pc) =	sbr.rel @p0 .LBB2_5-.Ltmp3, $4  }
0x58: {  	v5 =	vor.u32 s24, v1  }
0x59: {  	[tilespmem:v4+s3+$0x0] =	vst.idx.add.f32.msk $0xf, v3  }
0x5a: {  	[tilespmem:v4+s3+$0x0] =	vst.idx.add.f32.msk vm0, v3  }
0x5b: {  	s24 =	sadd.s32 $0x4, s24;
	[tilespmem:v4+s3+$0x0] =	vst.idx.add.f32.msk vm1, v3  }
0x5c: {  	_ =	sdelay $0x4  }
0x5d: {  	[tilespmem:v4+s3+$0x0] =	vst.idx.add.f32.msk vm2, v3  }
0x5e: {  	v3 =	vld.idx.msk [tilespmem:v5+s13+$0x0], $0xffff;
	_ =	sdelay $0x3  }
0x5f: {  	s23 =	sadd.s32 $0x10, s23  }
0x60: {  	v4 =	vld [tilespmem:s23+$0x0];
	v3 =	vadd.s32 v2, v3;
	_ =	sdelay $0x2  }
0x61: {  	p0 =	seq.s32 s22, $0x4  }
0x62: {  	s23 =	smul.u32 @!p0 $0x7D0, s22  }
0x63: {  	[tilespmem:v3+s3+$0x0] =	vst.idx.add.f32.msk $0xf, v4  }
0x64: {  	s23 =	sadd.s32 @!p0 s23, s9;
	[tilespmem:v3+s3+$0x0] =	vst.idx.add.f32.msk vm0, v4  }
0x65: {  	s25 =	simm.s32 @!p0 $0x0;
	s24 =	sshrl.u32 @!p0 s23, $0x3;
	s23 =	sshrl.u32 @!p0 s23, $0x1;
	[tilespmem:v3+s3+$0x0] =	vst.idx.add.f32.msk vm1, v4  }
0x66: {  	s26 =	simm.s32 @!p0 $0x9C40;
	s24 =	sadd.s32 @!p0 s4, s24;
	s23 =	sand.u32 @!p0 $0x1FFFFFF8, s23;
	[tilespmem:v3+s3+$0x0] =	vst.idx.add.f32.msk vm2, v4  }
0x67: {  	[tilespmem:s26], [sflag:$0x1] =	stream.linear.gather @!p0 [hbm4b:s24+s25], $0x3E8, $0x38;
	[tilespmem:$0xC350] =	vst v63  }
0x68: {  	s23 =	sadd.s32 @!p0 s2, s23;
	s24 =	simm.s32 @!p0 $0xA410  }
0x69: {  	[tilespmem:s24], [sflag:$0x1] =	stream.linear.gather @!p0 [hbm4b:s23+s25], $0xFA0, $0x38;
	[tilespmem:$0xC350] =	vst v63  }
0x6a: {  	s30 =	simm.s32 $0x0;
	_ =	swait.ge [sflag:s18], $0x3E8  }
0x6b: {  	v3 =	vor.u32 s30, v1;
	[sflag:s18] =	ssyncset.done $0x0  }
0x6c: {  	[sflag:s18] =	ssyncadd.s32 $0xFFFFFC18  }
0x6d: {  	_ =	swait.ge [sflag:s18], $0xFA0  }
0x6e: {  	[sflag:s18] =	ssyncset.done $0x0  }
0x6f: {  	[sflag:s18] =	ssyncadd.s32 $0xFFFFF060  }
0x70: {  	v4 =	vld.idx.msk [tilespmem:v3+s15+$0x0], $0xffff;
	_ =	sdelay $0x3  }
0x71: {  	s23 =	simm.s32 $0xB3B0  }
0x72: {  	v3 =	vld [tilespmem:s23+$0x0];
	v4 =	vadd.s32 v2, v4;
	_ =	sdelay $0x2  }
0x73: {  	s31 =	simm.s32 $0x4  }
0x74: {  	v5 =	vor.u32 s31, v1  }
0x75: {  	[tilespmem:v4+s3+$0x0] =	vst.idx.add.f32.msk $0xf, v3  }
0x76: {  	[tilespmem:v4+s3+$0x0] =	vst.idx.add.f32.msk vm0, v3  }
0x77: {  	s24 =	simm.s32 $0x8;
	[tilespmem:v4+s3+$0x0] =	vst.idx.add.f32.msk vm1, v3  }
.LBB2_7:
0x78: {  	p1 =	sne.s32 s24, $0x3E4;
	[tilespmem:v4+s3+$0x0] =	vst.idx.add.f32.msk vm2, v3  }
0x79: {  	s23 =	sadd.s32 $0x10, s23;
	v4 =	vld.idx.msk [tilespmem:v5+s15+$0x0], $0xffff  }
0x7a: {  	v3 =	vld [tilespmem:s23+$0x0];
	_ =	sdelay $0x4  }
0x7b: {  	v4 =	vadd.s32 v2, v4;
	_ =	sdelay $0x2  }
.Ltmp4:
0x7c: {  	(pc) =	sbr.rel @p1 .LBB2_7-.Ltmp4, $4  }
0x7d: {  	v5 =	vor.u32 s24, v1  }
0x7e: {  	[tilespmem:v4+s3+$0x0] =	vst.idx.add.f32.msk $0xf, v3  }
0x7f: {  	[tilespmem:v4+s3+$0x0] =	vst.idx.add.f32.msk vm0, v3  }
0x80: {  	s24 =	sadd.s32 $0x4, s24;
	[tilespmem:v4+s3+$0x0] =	vst.idx.add.f32.msk vm1, v3  }
0x81: {  	_ =	sdelay $0x4  }
0x82: {  	[tilespmem:v4+s3+$0x0] =	vst.idx.add.f32.msk vm2, v3  }
0x83: {  	v3 =	vld.idx.msk [tilespmem:v5+s15+$0x0], $0xffff;
	_ =	sdelay $0x3  }
0x84: {  	s23 =	sadd.s32 $0x10, s23  }
0x85: {  	v4 =	vld [tilespmem:s23+$0x0];
	v3 =	vadd.s32 v2, v3;
	_ =	sdelay $0x3  }
.Ltmp5:
0x86: {  	_ = 	snop;
	(pc) =	sbr.rel @p0 .LBB2_10-.Ltmp5, $4  }
0x87: {  	[tilespmem:v3+s3+$0x0] =	vst.idx.add.f32.msk $0xf, v4  }
0x88: {  	[tilespmem:v3+s3+$0x0] =	vst.idx.add.f32.msk vm0, v4  }
0x89: {  	[tilespmem:v3+s3+$0x0] =	vst.idx.add.f32.msk vm1, v4  }
0x8a: {  	[tilespmem:v3+s3+$0x0] =	vst.idx.add.f32.msk vm2, v4  }
0x8b: {  	s23 =	smul.u32 $0x7D0, s22;
	_ =	sdelay $0x1  }
0x8c: {  	s23 =	sadd.s32 s23, s10  }
.Ltmp6:
0x8d: {  	s24 =	sshrl.u32 s23, $0x3;
	(pc) =	sbr.rel .LBB2_4-.Ltmp6, $4  }
0x8e: {  	s23 =	sshrl.u32 s23, $0x1;
	s24 =	sadd.s32 s4, s24  }
0x8f: {  	[tilespmem:s15], [sflag:$0x2] =	stream.linear.gather [hbm4b:s24+s3], $0x3E8, $0x38;
	[tilespmem:$0xC350] =	vst v63  }
0x90: {  	s22 =	sadd.s32 $0x1, s22;
	s23 =	sadd.s32 s2, s23  }
0x91: {  	[tilespmem:s16], [sflag:$0x2] =	stream.linear.gather [hbm4b:s23+s3], $0xFA0, $0x38;
	[tilespmem:$0xC350] =	vst v63  }
.LBB2_11:
0x92: {  	_ =	sfence.sel $0x180000  }
0x93: {  	[bflag:$0x0] =	sbarrier.arrive $0xFFFF  }
0x94: {  	p0 =	sne.s32 s0, $0x0;
	_ =	strace $0x9000004A  }
0x95: {  	s0 =	sadd.s32 @!p0 $0x100000, s1;
	[bflag:$0x2] =	sbarrier.arrive $0xFFFF  }
0x96: {  	[sflag:s0] =	ssyncadd.tile.s32 @!p0 $0x1;
	_ =	shalt  }
.Lfunc_end2:
_tile_overlayer_lowered:
.L_overlay_start_2:
0x97: {  	(tag) =	ssettag $0x2  }
0x98: {  	s0 =	rddreg [dreg:$0x0];
	s2 =	stileid.u32  }
0x99: {  	s1 =	rddreg [dreg:$0x1];
	p0 =	sne.s32 s2, $0x0  }
0x9a: {  	s3 =	rddreg [dreg:$0x2];
	[bflag:$0x3] =	sbarrier.arrive $0xFFFF;
	s2 =	simm.s32 @!p0 $0x1C03  }
0x9b: {  	[timem:s3], [sflag:s2] =	dma.local @!p0 [hbm:s0], s1  }
0x9c: {  	s0 =	simm.s32 @!p0 $0x3  }
0x9d: {  	_ =	swait.ge @!p0 [sflag:s0], s1  }
0x9e: {  	s1 =	ssub.s32 @!p0 $0x0, s1;
	[sflag:s0] =	ssyncset.done @!p0 $0x0  }
0x9f: {  	[sflag:s0] =	ssyncadd.s32 @!p0 s1  }
0xa0: {  	[bflag:$0x3] =	sbarrier.arrive $0xFFFF  }
0xa1: {  	_ =	shalt  }

// kernel: kernel.7.cloned.1.call-start
scs
__scs_entry_jumppad:
0x0: {  	(pc) =	sbr.rel $0x88, $3  }
0x1: {  	(tag) =	ssettag $0x0;
	lr =	simm.s32 $0x1  }
0x2: {  	[smem:$0x3F96] =	sst lr;
	_ =	strace $0xD0000000  }
0x3: {  	_ = 	snop  }
0x4: {  	_ = 	snop  }
0x5: {  	_ = 	snop  }
0x6: {  	_ = 	snop  }
0x7: {  	_ = 	snop  }
__scs_overlays_trampoline_lowered:
0x8: {  	[smem:$0x3FA5] =	sst s0  }
0x9: {  	[smem:$0x3FA6] =	sst s1  }
0xa: {  	[smem:$0x3FA7] =	sst s2  }
0xb: {  	[smem:$0x3FA8] =	sst s3  }
0xc: {  	[smem:$0x3FA9] =	sst s4  }
0xd: {  	[smem:$0x3FAA] =	sst s5  }
0xe: {  	[smem:$0x3FAB] =	sst s6  }
0xf: {  	[smem:$0x3FAC] =	sst s7  }
0x10: {  	[smem:$0x3FAD] =	sst s8  }
0x11: {  	[smem:$0x3FAE] =	sst s9;
	s0 =	simm.s32 @!p0 $0x0  }
0x12: {  	s1 =	sld [smem:$0x3F94];
	s0 =	simm.s32 @p0 $0x1  }
0x13: {  	[smem:$0x3FAF] =	sst s0;
	s0 =	simm.s32 @!p1 $0x0  }
0x14: {  	s2 =	sld [smem:$0x3F93];
	s0 =	simm.s32 @p1 $0x1  }
0x15: {  	[smem:$0x3FB0] =	sst s0;
	s0 =	simm.s32 @!p2 $0x0  }
0x16: {  	s3 =	sld [smem:$0x3FDB];
	s0 =	simm.s32 @p2 $0x1  }
0x17: {  	s4 =	simm.s32 $0x1BF5;
	[smem:$0x3FB2] =	sst s0  }
0x18: {  	s0 =	sld [smem:$0x3F95];
	_ =	swait.ge [sflag:s4], $0x0  }
0x19: {  	s7 =	sld [smem:$0x3F96]  }
0x1a: {  	s8 =	sadd.s32 $0xFFFFE003, lr  }
0x1b: {  	s9 =	sadd.s32 $0xFFFFFEF7, lr;
	s5 =	simm.s32 $0xFFFFFFFF;
	p2 =	slt.u32 s8, $0xFFFFF086  }
0x1c: {  	p1 =	slt.u32 s9, $0xF7A;
	s5 =	simm.s32 @!p2 $0x0  }
0x1d: {  	s5 =	simm.s32 @p1 $0x1;
	p0 =	seq.s32 s7, s2  }
0x1e: {  	s7 =	smul.u32 @!p0 $0xF7A, s2;
	p2 =	seq.s32 @!p0 s5, $0x0  }
0x1f: {  	s9 =	smul.u32 $0xF7A, s1;
	s8 =	simm.s32 @!p0 $0x1BF5;
	p2 =	por !p2, p0  }
0x20: {  	[sflag:s8] =	ssyncset.s32 @!p0 $0xFFFFF086;
	s6 =	sadd.s32 @!p0 s3, s7;
	s7 =	simm.s32 @!p0 $0x108  }
0x21: {  	s3 =	sadd.s32 s3, s9;
	s6 =	sadd.s32 @!p0 $0x88, s6;
	s7 =	simm.s32 @p2 $0x1082  }
0x22: {  	[simem:s7], [sflag:s8] =	dma.local @!p0 [hbm:s6], $0xF7A  }
0x23: {  	s9 =	sor.u32 $0xD0000000, s2;
	s6 =	simm.s32 $0x108;
	_ =	swait.ge @!p0 [sflag:s8], $0x0  }
0x24: {  	s3 =	sadd.s32 $0x88, s3;
	s6 =	simm.s32 @!p1 $0x1082;
	[sflag:s4] =	ssyncset.s32 $0xFFFFF086  }
0x25: {  	[simem:s6], [sflag:s4] =	dma.local [hbm:s3], $0xF7A  }
0x26: {  	[smem:$0x3F96] =	sst s1;
	(tag) =	ssettag s2;
	_ =	strace s9  }
0x27: {  	s1 =	sld [smem:$0x3FA6]  }
0x28: {  	s2 =	sld [smem:$0x3FA7]  }
0x29: {  	s4 =	sld [smem:$0x3FA9]  }
0x2a: {  	p0 =	seq.s32 s5, $0x0;
	s5 =	sld [smem:$0x3FAA]  }
0x2b: {  	s6 =	sld [smem:$0x3FAB]  }
0x2c: {  	s7 =	sld [smem:$0x3FAC]  }
0x2d: {  	s3 =	simm.s32 $0x108;
	s8 =	sld [smem:$0x3FAD]  }
0x2e: {  	s3 =	simm.s32 @!p0 $0x1082;
	s9 =	sld [smem:$0x3FAE]  }
0x2f: {  	lr =	sadd.s32 s0, s3;
	s0 =	sld [smem:$0x3FA5]  }
0x30: {  	s3 =	sld [smem:$0x3FA8]  }
0x31: {  	[smem:$0x3FB1] =	sst s10  }
0x32: {  	s10 =	sld [smem:$0x3FAF];
	_ =	sdelay $0x3  }
0x33: {  	p0 =	seq.s32 s10, $0x1;
	s10 =	sld [smem:$0x3FB1];
	_ =	sdelay $0x3  }
0x34: {  	[smem:$0x3FB1] =	sst s10  }
0x35: {  	s10 =	sld [smem:$0x3FB0];
	_ =	sdelay $0x3  }
0x36: {  	p1 =	seq.s32 s10, $0x1;
	s10 =	sld [smem:$0x3FB1];
	_ =	sdelay $0x3  }
0x37: {  	[smem:$0x3FB1] =	sst s10  }
0x38: {  	s10 =	sld [smem:$0x3FB2]  }
0x39: {  	_ = 	snop;
	(pc) =	sbr.ind lr, $3  }
0x3a: {  	_ = 	snop  }
0x3b: {  	_ = 	snop  }
0x3c: {  	p2 =	seq.s32 s10, $0x1;
	s10 =	sld [smem:$0x3FB1]  }
0x3d: {  	_ =	shalt  }
0x3e: {  	_ =	shalt  }
0x3f: {  	_ =	shalt  }
0x40: {  	_ =	shalt  }
0x41: {  	_ =	shalt  }
0x42: {  	_ =	shalt  }
0x43: {  	_ =	shalt  }
0x44: {  	_ =	shalt  }
0x45: {  	_ =	shalt  }
0x46: {  	_ =	shalt  }
0x47: {  	_ =	shalt  }
0x48: {  	_ =	shalt  }
0x49: {  	_ =	shalt  }
0x4a: {  	_ =	shalt  }
0x4b: {  	_ =	shalt  }
0x4c: {  	_ =	shalt  }
0x4d: {  	_ =	shalt  }
0x4e: {  	_ =	shalt  }
0x4f: {  	_ =	shalt  }
0x50: {  	_ =	shalt  }
0x51: {  	_ =	shalt  }
0x52: {  	_ =	shalt  }
0x53: {  	_ =	shalt  }
0x54: {  	_ =	shalt  }
0x55: {  	_ =	shalt  }
0x56: {  	_ =	shalt  }
0x57: {  	_ =	shalt  }
0x58: {  	_ =	shalt  }
0x59: {  	_ =	shalt  }
0x5a: {  	_ =	shalt  }
0x5b: {  	_ =	shalt  }
0x5c: {  	_ =	shalt  }
0x5d: {  	_ =	shalt  }
0x5e: {  	_ =	shalt  }
0x5f: {  	_ =	shalt  }
0x60: {  	_ =	shalt  }
0x61: {  	_ =	shalt  }
0x62: {  	_ =	shalt  }
0x63: {  	_ =	shalt  }
0x64: {  	_ =	shalt  }
0x65: {  	_ =	shalt  }
0x66: {  	_ =	shalt  }
0x67: {  	_ =	shalt  }
0x68: {  	_ =	shalt  }
0x69: {  	_ =	shalt  }
0x6a: {  	_ =	shalt  }
0x6b: {  	_ =	shalt  }
0x6c: {  	_ =	shalt  }
0x6d: {  	_ =	shalt  }
0x6e: {  	_ =	shalt  }
0x6f: {  	_ =	shalt  }
0x70: {  	_ =	shalt  }
0x71: {  	_ =	shalt  }
0x72: {  	_ =	shalt  }
0x73: {  	_ =	shalt  }
0x74: {  	_ =	shalt  }
0x75: {  	_ =	shalt  }
0x76: {  	_ =	shalt  }
0x77: {  	_ =	shalt  }
0x78: {  	_ =	shalt  }
0x79: {  	_ =	shalt  }
0x7a: {  	_ =	shalt  }
0x7b: {  	_ =	shalt  }
0x7c: {  	_ =	shalt  }
0x7d: {  	_ =	shalt  }
0x7e: {  	_ =	shalt  }
0x7f: {  	_ =	shalt  }
0x80: {  	_ =	shalt  }
0x81: {  	_ =	shalt  }
0x82: {  	_ =	shalt  }
0x83: {  	_ =	shalt  }
0x84: {  	_ =	shalt  }
0x85: {  	_ =	shalt  }
0x86: {  	_ =	shalt  }
0x87: {  	_ =	shalt  }
.Lfunc_end0:
.L_simem_size_0:
called_computation_lowered:
.L_overlay_start_0:
0x88: {  	s2 =	sld [smem:$0x3FD9]  }
0x89: {  	s3 =	sld [smem:$0x3FFE];
	_ =	sdelay $0x1  }
0x8a: {  	s1 =	srdreg.scid  }
0x8b: {  	s0 =	sand.u32 $0x1, s1  }
0x8c: {  	s17 =	sshll.u32 s0, $0xA;
	s2 =	sadd.s32 s3, s2  }
0x8d: {  	s2 =	sadd.s32 s2, s17  }
0x8e: {  	[smem:$0x3FBD] =	sst s2  }
0x8f: {  	_ = 	snop  }
0x90: {  	s2 =	sld [smem:$0x3FD0];
	(tm) =	ssettm $0x1  }
0x91: {  	s18 =	sld [smem:$0x3FFB];
	_ =	sdelay $0x3  }
0x92: {  	_ =	strace s18  }
0x93: {  	s3 =	sld [smem:$0x3FFC];
	_ =	sdelay $0x3  }
0x94: {  	_ =	strace s3  }
0x95: {  	s3 =	sld [smem:$0x3FFD];
	_ =	sdelay $0x3  }
0x96: {  	_ =	strace s3  }
0x97: {  	_ =	strace $0x8FFFFFFF  }
0x98: {  	s19 =	sld [smem:$0x3FDB];
	_ =	sdelay $0x1  }
0x99: {  	s4 =	simm.s32 $_scs_section_size  }
0x9a: {  	s5 =	simm.s32 $_size__tile_overlayer_lowered;
	s6 =	simm.s32 $_tile_overlayer_lowered  }
0x9b: {  	s22 =	simm.s32 $0x1BFF;
	s21 =	sshll.u32 s6, $0x1;
	s3 =	sadd.s32 s4, s19  }
0x9c: {  	s7 =	simm.s32 $0x0;
	s20 =	sshll.u32 s5, $0x1;
	s5 =	sadd.s32 s21, s3  }
0x9d: {  	[timem:s7], [sflag:s22] =	dma.local [hbm:s5], s20  }
0x9e: {  	_ =	swait.ge [sflag:s22], s20  }
0x9f: {  	s4 =	ssub.s32 $0x0, s20;
	[sflag:s22] =	ssyncset.done $0x0  }
0xa0: {  	[sflag:s22] =	ssyncadd.s32 s4;
	_ =	sdelay $0x1  }
0xa1: {  	s23 =	simm.s32 $0x1B8B  }
0xa2: {  	_ =	swait.ge [sflag:s23], $0x1  }
0xa3: {  	[sflag:s23] =	ssyncset.done $0x0  }
0xa4: {  	s25 =	simm.s32 $0x1B8E;
	s24 =	sld [smem:$0x3FFE];
	[sflag:s23] =	ssyncadd.s32 $0xFFFFFFFF  }
0xa5: {  	s26 =	simm.s32 $execute0_lowered;
	[smem:$0x3FD2] =	sst s25  }
0xa6: {  	s5 =	sshll.u32 s26, $0x1;
	_ =	strace $0x80000046;
	[dreg:$0x1] =	wrdreg $0xFFFFFFFF  }
0xa7: {  	s28 =	simm.s32 $_size_execute0_lowered;
	s3 =	sadd.s32 s3, s5;
	[dreg:$0x0] =	wrdreg $0x0  }
0xa8: {  	s5 =	sshll.u32 s28, $0x1;
	[dreg:$0x2] =	wrdreg s3  }
0xa9: {  	[dreg:$0x3] =	wrdreg s5  }
0xaa: {  	[dreg:$0x4] =	wrdreg $0xC0  }
0xab: {  	_ =	task [dreg:s7], $0x5FFFF  }
0xac: {  	[dreg:$0x1] =	wrdreg $0xFFFFFFFF  }
0xad: {  	[dreg:$0x0] =	wrdreg $0x60  }
0xae: {  	[dreg:$0x2] =	wrdreg s2  }
0xaf: {  	[dreg:$0x3] =	wrdreg s24  }
0xb0: {  	[dreg:$0x4] =	wrdreg $0x9  }
0xb1: {  	_ =	task.clear_ibuf [dreg:s7], $0x5FFFF;
	_ =	strace $0x90000046  }
0xb2: {  	s29 =	simm.s32 $0x9;
	_ =	strace $0x80000048  }
0xb3: {  	_ =	swait.ge [sflag:s29], $0x1  }
0xb4: {  	[sflag:s29] =	ssyncadd.s32 $0xFFFFFFFF  }
0xb5: {  	_ =	strace $0x90000048  }
0xb6: {  	_ =	sfence  }
0xb7: {  	s30 =	sld [smem:$0x0];
	_ =	sdelay $0x2  }
0xb8: {  	s31 =	sshll.u32 s1, $0xD;
	s1 =	sshrl.u32 s1, $0x2  }
0xb9: {  	s3 =	sand.u32 $0x4000, s31;
	s1 =	sadd.s32 s1, s30  }
0xba: {  	s0 =	sor.u32 s3, s0;
	s1 =	sshll.u32 s1, $0x11  }
0xbb: {  	s0 =	sor.u32 s1, s0  }
0xbc: {  	s0 =	sadd.s32 $0x8F2B, s0  }
0xbd: {  	[sflag:s0] =	ssyncadd.remote.s32 $0x1  }
0xbe: {  	_ =	sfence.sel $0xFFFF  }
0xbf: {  	[dreg:$0x0] =	wrdreg $0xFFFFFFFF;
	(pc) =	sbr.abs _section_cstart, $3  }
0xc0: {  	[dreg:$0x1] =	wrdreg $0xFFFFFFFF  }
0xc1: {  	_ =	task.clear_ibuf [dreg:s7], $0x2FFFF;
	_ =	strace $0x9FFFFFFF  }
0xc2: {  	(tm) =	ssettm $0x7FFFFFFF  }
0xc3: {  	_ =	shalt  }
tec
execute0_lowered:
.L_overlay_start_1:
0x0: {  	(tag) =	ssettag $0x1  }
0x1: {  	s2 =	rddreg [dreg:$0x0]  }
0x2: {  	s0 =	srdreg.scid;
	s3 =	stileid.u32  }
0x3: {  	s1 =	rddreg [dreg:$0x1];
	s12 =	simm.s32 $0x7;
	s14 =	simm.s32 $0x50  }
0x4: {  	s15 =	simm.s32 $0x4E20;
	s16 =	simm.s32 $0x6220;
	s17 =	simm.s32 $0x5820  }
0x5: {  	s19 =	simm.s32 $0x6C20;
	s20 =	simm.s32 $0x1;
	s21 =	simm.s32 $0x3  }
0x6: {  	s22 =	simm.s32 $0x7620;
	s23 =	simm.s32 $0x2;
	s24 =	simm.s32 $0x4  }
0x7: {  	s25 =	simm.s32 $0x8020;
	s26 =	simm.s32 $0x5;
	s28 =	simm.s32 $0x6  }
0x8: {  	s0 =	sand.u32 $0x1, s0;
	s4 =	sshll.u32 s3, $0x1;
	s3 =	simm.s32 $0x0  }
0x9: {  	s29 =	simm.s32 $0x0;
	s6 =	sor.u32 s0, s4;
	[smem:$0x7FF] =	sst s3  }
0xa: {  	s4 =	sadd.s32 $0x17E00, s1;
	s0 =	ssub.s32 $0x2, s0;
	s5 =	smul.u32 $0x2710, s6  }
0xb: {  	_ =	strace $0x80000047;
	s7 =	smul.u32 $0x4E200, s6;
	s30 =	sshrl.u32 s0, $0x1  }
0xc: {  	s6 =	smul.u32 $0x9C4, s6;
	s0 =	ssub.s32 s0, s30;
	s5 =	sshrl.u32 s5, $0x3  }
0xd: {  	s9 =	sshrl.u32 s7, $0x3;
	s8 =	sadd.s32 s5, s1;
	s5 =	sadd.s32 $0x21C00, s1  }
0xe: {  	s11 =	smax.u32 s0, $0x1;
	s7 =	sadd.s32 $0x4400, s8;
	s31 =	sadd.s32 s5, s9  }
0xf: {  	s8 =	sadd.s32 $0xE040, s8;
	s9 =	sadd.s32 $0x14, s6;
	s10 =	sadd.s32 $0x9B00, s31  }
.LBB2_1:
0x10: {  	[tilespmem:s3], [sflag:$0x7] =	stream.linear.gather [hbm4b:s7+s3], $0x2710, $0x38;
	[tilespmem:$0x8A20] =	vst v63  }
0x11: {  	_ =	swait.ge [sflag:s12], $0x2710  }
0x12: {  	[sflag:s12] =	ssyncset.done $0x0  }
0x13: {  	s0 =	simm.s32 $0x2710;
	[sflag:s12] =	ssyncadd.s32 $0xFFFFD8F0  }
0x14: {  	[tilespmem:s0], [sflag:$0x7] =	stream.linear.gather [hbm4b:s8+s3], $0x2710, $0x38;
	[tilespmem:$0x8A20] =	vst v63  }
0x15: {  	_ =	swait.ge [sflag:s12], $0x2710  }
0x16: {  	[sflag:s12] =	ssyncset.done $0x0  }
0x17: {  	[sflag:s12] =	ssyncadd.s32 $0xFFFFD8F0  }
0x18: {  	[tilespmem:s15], [sflag:$0x1] =	stream.indirect.gather [hbm4b:s2+s14], $0x20, s3, s14, $0xb8;
	[tilespmem:$0x8A20] =	vst v63  }
0x19: {  	_ = 	snop  }
0x1a: {  	[tilespmem:s16], [sflag:$0x3] =	stream.indirect.gather [hbm4b:s4+s14], $0x20, s0, s14, $0xb8;
	[tilespmem:$0x8A20] =	vst v63  }
0x1b: {  	_ = 	snop  }
0x1c: {  	[tilespmem:s17], [sflag:$0x2] =	stream.indirect.gather [hbm4b:s2+s14], $0x20, s14, s14, $0xb8;
	[tilespmem:$0x8A20] =	vst v63  }
0x1d: {  	s31 =	simm.s32 $0x2760;
	s30 =	simm.s32 $0x0  }
0x1e: {  	[tilespmem:s19], [sflag:$0x4] =	stream.indirect.gather [hbm4b:s4+s14], $0x20, s31, s14, $0xb8;
	[tilespmem:$0x8A20] =	vst v63  }
.LBB2_2:
0x1f: {  	_ =	swait.ge [sflag:s20], $0xA00  }
0x20: {  	[sflag:s20] =	ssyncset.done $0x0  }
0x21: {  	[sflag:s20] =	ssyncadd.s32 $0xFFFFF600  }
0x22: {  	_ =	swait.ge [sflag:s21], $0xA00  }
0x23: {  	p0 =	seq.s32 s30, $0x0;
	[sflag:s21] =	ssyncset.done $0x0  }
0x24: {  	s0 =	simm.s32 @!p0 $0x5;
	[sflag:s21] =	ssyncadd.s32 $0xFFFFF600  }
0x25: {  	_ =	swait.ge @!p0 [sflag:s0], $0xA00  }
0x26: {  	[sflag:s0] =	ssyncset.done @!p0 $0x0  }
0x27: {  	s1 =	simm.s32 $0x0;
	[sflag:s0] =	ssyncadd.s32 @!p0 $0xFFFFF600  }
0x28: {  	v0 =	vld [tilespmem:s1+$0x4E90]  }
0x29: {  	v1 =	vld [tilespmem:s1+$0x6290]  }
0x2a: {  	v2 =	vld [tilespmem:s1+$0x4E20]  }
0x2b: {  	v3 =	vld [tilespmem:s1+$0x6220]  }
0x2c: {  	v4 =	vld [tilespmem:s1+$0x4E30]  }
0x2d: {  	v5 =	vld [tilespmem:s1+$0x6230]  }
0x2e: {  	v6 =	vld [tilespmem:s1+$0x4E40]  }
0x2f: {  	v7 =	vld [tilespmem:s1+$0x4E50]  }
0x30: {  	v0 =	vadd.f32 v1, v0;
	v1 =	vld [tilespmem:s1+$0x6240]  }
0x31: {  	v8 =	vld [tilespmem:s1+$0x6250]  }
0x32: {  	v9 =	vld [tilespmem:s1+$0x6260];
	v2 =	vadd.f32 v3, v2  }
0x33: {  	[tilespmem:s1+$0x7690] =	vst v0;
	v0 =	vadd.f32 v5, v4;
	v5 =	vld [tilespmem:s1+$0x4E60]  }
0x34: {  	v3 =	vld [tilespmem:s1+$0x6270];
	[tilespmem:s1+$0x7620] =	vst v2  }
0x35: {  	v2 =	vld [tilespmem:s1+$0x4E70];
	[tilespmem:s1+$0x7630] =	vst v0;
	v0 =	vadd.f32 v1, v6  }
0x36: {  	v4 =	vld [tilespmem:s1+$0x6280];
	v6 =	vadd.f32 v8, v7  }
0x37: {  	s0 =	simm.s32 $0x80;
	[tilespmem:s1+$0x7640] =	vst v0;
	v0 =	vld [tilespmem:s1+$0x4E80]  }
0x38: {  	s18 =	simm.s32 $0x400;
	v5 =	vadd.f32 v9, v5;
	v1 =	vld [tilespmem:s0+$0x4E90];
	[tilespmem:s1+$0x7650] =	vst v6  }
.LBB2_3:
0x39: {  	p1 =	sne.s32 s18, $0x2600;
	v6 =	vld [tilespmem:s0+$0x6290]  }
0x3a: {  	v7 =	vld [tilespmem:s0+$0x4E20];
	[tilespmem:s1+$0x7660] =	vst v5;
	v2 =	vadd.f32 v3, v2  }
0x3b: {  	v3 =	vld [tilespmem:s0+$0x6220]  }
0x3c: {  	v5 =	vld [tilespmem:s0+$0x4E30];
	[tilespmem:s1+$0x7670] =	vst v2;
	v0 =	vadd.f32 v4, v0  }
0x3d: {  	v2 =	vld [tilespmem:s0+$0x6230]  }
0x3e: {  	v4 =	vld [tilespmem:s0+$0x4E40];
	v1 =	vadd.f32 v6, v1;
	[tilespmem:s1+$0x7680] =	vst v0;
	s1 =	smov.u32 s0  }
0x3f: {  	v0 =	vld [tilespmem:s1+$0x6240]  }
0x40: {  	v3 =	vadd.f32 v3, v7;
	v6 =	vld [tilespmem:s1+$0x4E50];
	[tilespmem:s1+$0x7690] =	vst v1  }
0x41: {  	v1 =	vld [tilespmem:s1+$0x6250]  }
0x42: {  	[tilespmem:s1+$0x7620] =	vst v3;
	v2 =	vadd.f32 v2, v5;
	v5 =	vld [tilespmem:s1+$0x4E60]  }
0x43: {  	v7 =	vld [tilespmem:s1+$0x6260]  }
.Ltmp0:
0x44: {  	[tilespmem:s1+$0x7630] =	vst v2;
	v0 =	vadd.f32 v0, v4;
	v2 =	vld [tilespmem:s1+$0x4E70];
	(pc) =	sbr.rel @p1 .LBB2_3-.Ltmp0, $4  }
0x45: {  	v3 =	vld [tilespmem:s1+$0x6270]  }
0x46: {  	[tilespmem:s1+$0x7640] =	vst v0;
	v6 =	vadd.f32 v1, v6;
	v0 =	vld [tilespmem:s1+$0x4E80]  }
0x47: {  	s0 =	sshra.s32 s18, $0x2;
	v4 =	vld [tilespmem:s1+$0x6280]  }
0x48: {  	s18 =	sadd.s32 $0x200, s18;
	v1 =	vld [tilespmem:s0+$0x4E90];
	[tilespmem:s1+$0x7650] =	vst v6;
	v5 =	vadd.f32 v7, v5  }
0x49: {  	v6 =	vld [tilespmem:s0+$0x6290]  }
0x4a: {  	v7 =	vld [tilespmem:s0+$0x4E20];
	[tilespmem:s1+$0x7660] =	vst v5;
	v2 =	vadd.f32 v3, v2  }
0x4b: {  	v3 =	vld [tilespmem:s0+$0x6220]  }
0x4c: {  	v5 =	vld [tilespmem:s0+$0x4E30];
	[tilespmem:s1+$0x7670] =	vst v2;
	v0 =	vadd.f32 v4, v0  }
0x4d: {  	v2 =	vld [tilespmem:s0+$0x6230]  }
0x4e: {  	v4 =	vld [tilespmem:s0+$0x4E40];
	[tilespmem:s1+$0x7680] =	vst v0  }
0x4f: {  	v0 =	vadd.f32 v6, v1;
	v1 =	vld [tilespmem:s0+$0x6240]  }
0x50: {  	v6 =	vld [tilespmem:s0+$0x4E50]  }
0x51: {  	v3 =	vadd.f32 v3, v7;
	[tilespmem:s0+$0x7690] =	vst v0;
	v0 =	vld [tilespmem:s0+$0x6250]  }
0x52: {  	v7 =	vld [tilespmem:s0+$0x6280]  }
0x53: {  	[tilespmem:s0+$0x7620] =	vst v3;
	v2 =	vadd.f32 v2, v5;
	v3 =	vld [tilespmem:s0+$0x4E60]  }
0x54: {  	v5 =	vld [tilespmem:s0+$0x6260]  }
0x55: {  	[tilespmem:s0+$0x7630] =	vst v2;
	v1 =	vadd.f32 v1, v4;
	v2 =	vld [tilespmem:s0+$0x4E70]  }
0x56: {  	v4 =	vld [tilespmem:s0+$0x6270]  }
0x57: {  	[tilespmem:s0+$0x7640] =	vst v1;
	v1 =	vld [tilespmem:s0+$0x4E80];
	_ =	sdelay $0x1  }
0x58: {  	v0 =	vadd.f32 v0, v6  }
0x59: {  	s1 =	smul.u32 $0x28, s30;
	v3 =	vadd.f32 v5, v3  }
0x5a: {  	[tilespmem:s0+$0x7650] =	vst v0;
	v0 =	vadd.f32 v4, v2  }
0x5b: {  	s13 =	sadd.s32 s6, s1;
	[tilespmem:s0+$0x7660] =	vst v3;
	v1 =	vadd.f32 v7, v1  }
0x5c: {  	s13 =	sshll.u32 s13, $0x4;
	[tilespmem:s0+$0x7670] =	vst v0  }
0x5d: {  	s31 =	smul.u32 $0xA0, s30;
	s18 =	sadd.s32 s5, s13;
	[tilespmem:s0+$0x7680] =	vst v1  }
0x5e: {  	[hbm4b:s18+s3] =	stream.linear.scatter [tilespmem:s22], [sflag:$0x5], $0xA00, $0x38;
	[tilespmem:$0x8A20] =	vst v63  }
0x5f: {  	s13 =	sadd.s32 $0xA0, s31  }
0x60: {  	[tilespmem:s15], [sflag:$0x1] =	stream.indirect.gather [hbm4b:s2+s14], $0x20, s13, s14, $0xb8;
	[tilespmem:$0x8A20] =	vst v63  }
0x61: {  	s18 =	sadd.s32 $0x27B0, s31  }
0x62: {  	[tilespmem:s16], [sflag:$0x3] =	stream.indirect.gather [hbm4b:s4+s14], $0x20, s18, s14, $0xb8;
	[tilespmem:$0x8A20] =	vst v63  }
0x63: {  	_ =	swait.ge [sflag:s23], $0xA00  }
0x64: {  	[sflag:s23] =	ssyncset.done $0x0  }
0x65: {  	[sflag:s23] =	ssyncadd.s32 $0xFFFFF600  }
0x66: {  	_ =	swait.ge [sflag:s24], $0xA00  }
0x67: {  	[sflag:s24] =	ssyncset.done $0x0  }
0x68: {  	s0 =	simm.s32 @!p0 $0x6;
	[sflag:s24] =	ssyncadd.s32 $0xFFFFF600  }
0x69: {  	_ =	swait.ge @!p0 [sflag:s0], $0xA00  }
0x6a: {  	[sflag:s0] =	ssyncset.done @!p0 $0x0  }
0x6b: {  	[sflag:s0] =	ssyncadd.s32 @!p0 $0xFFFFF600;
	s0 =	simm.s32 $0x0  }
0x6c: {  	v0 =	vld [tilespmem:s0+$0x5890]  }
0x6d: {  	v1 =	vld [tilespmem:s0+$0x6C90]  }
0x6e: {  	v2 =	vld [tilespmem:s0+$0x5820]  }
0x6f: {  	v3 =	vld [tilespmem:s0+$0x6C20]  }
0x70: {  	v4 =	vld [tilespmem:s0+$0x5830]  }
0x71: {  	v5 =	vld [tilespmem:s0+$0x6C30]  }
0x72: {  	v6 =	vld [tilespmem:s0+$0x5840]  }
0x73: {  	v7 =	vld [tilespmem:s0+$0x5850]  }
0x74: {  	v0 =	vadd.f32 v1, v0;
	v1 =	vld [tilespmem:s0+$0x6C40]  }
0x75: {  	v8 =	vld [tilespmem:s0+$0x6C50]  }
0x76: {  	v9 =	vld [tilespmem:s0+$0x6C60];
	v2 =	vadd.f32 v3, v2  }
0x77: {  	[tilespmem:s0+$0x8090] =	vst v0;
	v0 =	vadd.f32 v5, v4;
	v5 =	vld [tilespmem:s0+$0x5860]  }
0x78: {  	v3 =	vld [tilespmem:s0+$0x6C70];
	[tilespmem:s0+$0x8020] =	vst v2  }
0x79: {  	v2 =	vld [tilespmem:s0+$0x5870];
	[tilespmem:s0+$0x8030] =	vst v0;
	v0 =	vadd.f32 v1, v6  }
0x7a: {  	v4 =	vld [tilespmem:s0+$0x6C80];
	v6 =	vadd.f32 v8, v7  }
0x7b: {  	s18 =	simm.s32 $0x80;
	[tilespmem:s0+$0x8040] =	vst v0;
	v0 =	vld [tilespmem:s0+$0x5880]  }
0x7c: {  	s13 =	simm.s32 $0x400;
	v5 =	vadd.f32 v9, v5;
	v1 =	vld [tilespmem:s18+$0x5890];
	[tilespmem:s0+$0x8050] =	vst v6  }
.LBB2_5:
0x7d: {  	p0 =	sne.s32 s13, $0x2600;
	v6 =	vld [tilespmem:s18+$0x6C90]  }
0x7e: {  	v7 =	vld [tilespmem:s18+$0x5820];
	[tilespmem:s0+$0x8060] =	vst v5;
	v2 =	vadd.f32 v3, v2  }
0x7f: {  	v3 =	vld [tilespmem:s18+$0x6C20]  }
0x80: {  	v5 =	vld [tilespmem:s18+$0x5830];
	[tilespmem:s0+$0x8070] =	vst v2;
	v0 =	vadd.f32 v4, v0  }
0x81: {  	v2 =	vld [tilespmem:s18+$0x6C30]  }
0x82: {  	v4 =	vld [tilespmem:s18+$0x5840];
	v1 =	vadd.f32 v6, v1;
	[tilespmem:s0+$0x8080] =	vst v0;
	s0 =	smov.u32 s18  }
0x83: {  	v0 =	vld [tilespmem:s0+$0x6C40]  }
0x84: {  	v3 =	vadd.f32 v3, v7;
	v6 =	vld [tilespmem:s0+$0x5850];
	[tilespmem:s0+$0x8090] =	vst v1  }
0x85: {  	v1 =	vld [tilespmem:s0+$0x6C50]  }
0x86: {  	[tilespmem:s0+$0x8020] =	vst v3;
	v2 =	vadd.f32 v2, v5;
	v5 =	vld [tilespmem:s0+$0x5860]  }
0x87: {  	v7 =	vld [tilespmem:s0+$0x6C60]  }
.Ltmp1:
0x88: {  	[tilespmem:s0+$0x8030] =	vst v2;
	v0 =	vadd.f32 v0, v4;
	v2 =	vld [tilespmem:s0+$0x5870];
	(pc) =	sbr.rel @p0 .LBB2_5-.Ltmp1, $4  }
0x89: {  	v3 =	vld [tilespmem:s0+$0x6C70]  }
0x8a: {  	[tilespmem:s0+$0x8040] =	vst v0;
	v6 =	vadd.f32 v1, v6;
	v0 =	vld [tilespmem:s0+$0x5880]  }
0x8b: {  	s18 =	sshra.s32 s13, $0x2;
	v4 =	vld [tilespmem:s0+$0x6C80]  }
0x8c: {  	s13 =	sadd.s32 $0x200, s13;
	v1 =	vld [tilespmem:s18+$0x5890];
	[tilespmem:s0+$0x8050] =	vst v6;
	v5 =	vadd.f32 v7, v5  }
0x8d: {  	v6 =	vld [tilespmem:s18+$0x6C90]  }
0x8e: {  	v7 =	vld [tilespmem:s18+$0x5820];
	[tilespmem:s0+$0x8060] =	vst v5;
	v2 =	vadd.f32 v3, v2  }
0x8f: {  	v51 =	vld [tilespmem:s18+$0x6C20]  }
0x90: {  	v5 =	vld [tilespmem:s18+$0x5830];
	[tilespmem:s0+$0x8070] =	vst v2;
	v0 =	vadd.f32 v4, v0  }
0x91: {  	v2 =	vld [tilespmem:s18+$0x6C30]  }
0x92: {  	v52 =	vld [tilespmem:s18+$0x5840];
	[tilespmem:s0+$0x8080] =	vst v0  }
0x93: {  	v54 =	vld [tilespmem:s18+$0x6C40]  }
0x94: {  	v55 =	vld [tilespmem:s18+$0x5850]  }
0x95: {  	v56 =	vld [tilespmem:s18+$0x6C50]  }
0x96: {  	v57 =	vld [tilespmem:s18+$0x5860]  }
0x97: {  	v58 =	vld [tilespmem:s18+$0x6C60]  }
0x98: {  	v59 =	vld [tilespmem:s18+$0x5870]  }
0x99: {  	v53 =	vadd.f32 v6, v1;
	v60 =	vld [tilespmem:s18+$0x6C70]  }
0x9a: {  	v61 =	vld [tilespmem:s18+$0x5880];
	v3 =	vadd.f32 v51, v7  }
0x9b: {  	v62 =	vld [tilespmem:s18+$0x6C80];
	[tilespmem:s18+$0x8090] =	vst v53;
	v2 =	vadd.f32 v2, v5  }
0x9c: {  	[tilespmem:s18+$0x8020] =	vst v3;
	v1 =	vadd.f32 v54, v52  }
0x9d: {  	[tilespmem:s18+$0x8030] =	vst v2;
	v0 =	vadd.f32 v56, v55  }
0x9e: {  	p0 =	seq.s32 s30, $0x3D;
	v3 =	vadd.f32 v58, v57;
	[tilespmem:s18+$0x8040] =	vst v1  }
.Ltmp2:
0x9f: {  	s13 =	sadd.s32 s1, s9;
	v63 =	vadd.f32 v60, v59;
	[tilespmem:s18+$0x8050] =	vst v0;
	(pc) =	sbr.rel @p0 .LBB2_8-.Ltmp2, $4  }
0xa0: {  	s0 =	sshll.u32 s13, $0x4;
	[tilespmem:s18+$0x8060] =	vst v3;
	v1 =	vadd.f32 v62, v61  }
0xa1: {  	s0 =	sand.u32 $0x1FFFFFC0, s0;
	[tilespmem:s18+$0x8070] =	vst v63  }
0xa2: {  	s0 =	sadd.s32 s5, s0;
	[tilespmem:s18+$0x8080] =	vst v1  }
0xa3: {  	[hbm4b:s0+s3] =	stream.linear.scatter [tilespmem:s25], [sflag:$0x6], $0xA00, $0x38;
	[tilespmem:$0x8A20] =	vst v63  }
.Ltmp3:
0xa4: {  	(pc) =	sbr.rel .LBB2_2-.Ltmp3, $4  }
0xa5: {  	s0 =	sadd.s32 $0xF0, s31  }
0xa6: {  	[tilespmem:s17], [sflag:$0x2] =	stream.indirect.gather [hbm4b:s2+s14], $0x20, s0, s14, $0xb8;
	[tilespmem:$0x8A20] =	vst v63  }
0xa7: {  	s31 =	sadd.s32 $0x2800, s31;
	s30 =	sadd.s32 $0x1, s30  }
0xa8: {  	[tilespmem:s19], [sflag:$0x4] =	stream.indirect.gather [hbm4b:s4+s14], $0x20, s31, s14, $0xb8;
	[tilespmem:$0x8A20] =	vst v63  }
.LBB2_8:
0xa9: {  	_ =	swait.ge [sflag:s20], $0xA00  }
0xaa: {  	[sflag:s20] =	ssyncset.done $0x0  }
0xab: {  	[sflag:s20] =	ssyncadd.s32 $0xFFFFF600  }
0xac: {  	_ =	swait.ge [sflag:s21], $0xA00  }
0xad: {  	[sflag:s21] =	ssyncset.done $0x0  }
0xae: {  	[sflag:s21] =	ssyncadd.s32 $0xFFFFF600  }
0xaf: {  	_ =	swait.ge [sflag:s26], $0xA00  }
0xb0: {  	[sflag:s26] =	ssyncset.done $0x0  }
0xb1: {  	s0 =	simm.s32 $0x0;
	[sflag:s26] =	ssyncadd.s32 $0xFFFFF600  }
0xb2: {  	v0 =	vld [tilespmem:s0+$0x4E90]  }
0xb3: {  	v1 =	vld [tilespmem:s0+$0x6290]  }
0xb4: {  	v2 =	vld [tilespmem:s0+$0x4E20]  }
0xb5: {  	v3 =	vld [tilespmem:s0+$0x6220]  }
0xb6: {  	v4 =	vld [tilespmem:s0+$0x4E30]  }
0xb7: {  	v5 =	vld [tilespmem:s0+$0x6230]  }
0xb8: {  	v6 =	vld [tilespmem:s0+$0x4E40]  }
0xb9: {  	v7 =	vld [tilespmem:s0+$0x4E50]  }
0xba: {  	v0 =	vadd.f32 v1, v0;
	v1 =	vld [tilespmem:s0+$0x6240]  }
0xbb: {  	v8 =	vld [tilespmem:s0+$0x6250]  }
0xbc: {  	v9 =	vld [tilespmem:s0+$0x6260];
	v2 =	vadd.f32 v3, v2  }
0xbd: {  	[tilespmem:s0+$0x7690] =	vst v0;
	v0 =	vadd.f32 v5, v4;
	v5 =	vld [tilespmem:s0+$0x4E60]  }
0xbe: {  	v3 =	vld [tilespmem:s0+$0x6270];
	[tilespmem:s0+$0x7620] =	vst v2  }
0xbf: {  	v2 =	vld [tilespmem:s0+$0x4E70];
	[tilespmem:s0+$0x7630] =	vst v0;
	v0 =	vadd.f32 v1, v6  }
0xc0: {  	v4 =	vld [tilespmem:s0+$0x6280];
	v6 =	vadd.f32 v8, v7  }
0xc1: {  	s1 =	simm.s32 $0x80;
	[tilespmem:s0+$0x7640] =	vst v0;
	v0 =	vld [tilespmem:s0+$0x4E80]  }
0xc2: {  	s13 =	simm.s32 $0x400;
	v5 =	vadd.f32 v9, v5;
	v1 =	vld [tilespmem:s1+$0x4E90];
	[tilespmem:s0+$0x7650] =	vst v6  }
.LBB2_9:
0xc3: {  	p0 =	sne.s32 s13, $0x2600;
	v6 =	vld [tilespmem:s1+$0x6290]  }
0xc4: {  	v7 =	vld [tilespmem:s1+$0x4E20];
	[tilespmem:s0+$0x7660] =	vst v5;
	v2 =	vadd.f32 v3, v2  }
0xc5: {  	v3 =	vld [tilespmem:s1+$0x6220]  }
0xc6: {  	v5 =	vld [tilespmem:s1+$0x4E30];
	[tilespmem:s0+$0x7670] =	vst v2;
	v0 =	vadd.f32 v4, v0  }
0xc7: {  	v2 =	vld [tilespmem:s1+$0x6230]  }
0xc8: {  	v4 =	vld [tilespmem:s1+$0x4E40];
	v1 =	vadd.f32 v6, v1;
	[tilespmem:s0+$0x7680] =	vst v0;
	s0 =	smov.u32 s1  }
0xc9: {  	v0 =	vld [tilespmem:s0+$0x6240]  }
0xca: {  	v3 =	vadd.f32 v3, v7;
	v6 =	vld [tilespmem:s0+$0x4E50];
	[tilespmem:s0+$0x7690] =	vst v1  }
0xcb: {  	v1 =	vld [tilespmem:s0+$0x6250]  }
0xcc: {  	[tilespmem:s0+$0x7620] =	vst v3;
	v2 =	vadd.f32 v2, v5;
	v5 =	vld [tilespmem:s0+$0x4E60]  }
0xcd: {  	v7 =	vld [tilespmem:s0+$0x6260]  }
.Ltmp4:
0xce: {  	[tilespmem:s0+$0x7630] =	vst v2;
	v0 =	vadd.f32 v0, v4;
	v2 =	vld [tilespmem:s0+$0x4E70];
	(pc) =	sbr.rel @p0 .LBB2_9-.Ltmp4, $4  }
0xcf: {  	v3 =	vld [tilespmem:s0+$0x6270]  }
0xd0: {  	[tilespmem:s0+$0x7640] =	vst v0;
	v6 =	vadd.f32 v1, v6;
	v0 =	vld [tilespmem:s0+$0x4E80]  }
0xd1: {  	s1 =	sshra.s32 s13, $0x2;
	v4 =	vld [tilespmem:s0+$0x6280]  }
0xd2: {  	s13 =	sadd.s32 $0x200, s13;
	v1 =	vld [tilespmem:s1+$0x4E90];
	[tilespmem:s0+$0x7650] =	vst v6;
	v5 =	vadd.f32 v7, v5  }
0xd3: {  	v6 =	vld [tilespmem:s1+$0x6290]  }
0xd4: {  	v7 =	vld [tilespmem:s1+$0x4E20];
	[tilespmem:s0+$0x7660] =	vst v5;
	v2 =	vadd.f32 v3, v2  }
0xd5: {  	v51 =	vld [tilespmem:s1+$0x6220]  }
0xd6: {  	v5 =	vld [tilespmem:s1+$0x4E30];
	[tilespmem:s0+$0x7670] =	vst v2;
	v0 =	vadd.f32 v4, v0  }
0xd7: {  	v2 =	vld [tilespmem:s1+$0x6230]  }
0xd8: {  	v52 =	vld [tilespmem:s1+$0x4E40];
	[tilespmem:s0+$0x7680] =	vst v0  }
0xd9: {  	v54 =	vld [tilespmem:s1+$0x6240]  }
0xda: {  	v55 =	vld [tilespmem:s1+$0x4E50]  }
0xdb: {  	v56 =	vld [tilespmem:s1+$0x6250]  }
0xdc: {  	v57 =	vld [tilespmem:s1+$0x4E60]  }
0xdd: {  	v58 =	vld [tilespmem:s1+$0x6260]  }
0xde: {  	v59 =	vld [tilespmem:s1+$0x4E70]  }
0xdf: {  	v53 =	vadd.f32 v6, v1;
	v60 =	vld [tilespmem:s1+$0x6270]  }
0xe0: {  	v61 =	vld [tilespmem:s1+$0x4E80];
	v3 =	vadd.f32 v51, v7  }
0xe1: {  	v62 =	vld [tilespmem:s1+$0x6280];
	[tilespmem:s1+$0x7690] =	vst v53;
	v2 =	vadd.f32 v2, v5  }
0xe2: {  	[tilespmem:s1+$0x7620] =	vst v3;
	v1 =	vadd.f32 v54, v52  }
0xe3: {  	[tilespmem:s1+$0x7630] =	vst v2;
	v0 =	vadd.f32 v56, v55  }
0xe4: {  	v3 =	vadd.f32 v58, v57;
	[tilespmem:s1+$0x7640] =	vst v1  }
0xe5: {  	v63 =	vadd.f32 v60, v59;
	[tilespmem:s1+$0x7650] =	vst v0  }
0xe6: {  	[tilespmem:s1+$0x7660] =	vst v3;
	v1 =	vadd.f32 v62, v61  }
0xe7: {  	[tilespmem:s1+$0x7670] =	vst v63  }
0xe8: {  	s29 =	sadd.s32 $0x1, s29;
	[tilespmem:s1+$0x7680] =	vst v1  }
0xe9: {  	[hbm4b:s10+s3] =	stream.linear.scatter [tilespmem:s22], [sflag:$0x5], $0xA00, $0x38;
	[tilespmem:$0x8A20] =	vst v63  }
0xea: {  	p0 =	sne.s32 s29, s11;
	_ =	swait.ge [sflag:s26], $0xA00  }
.Ltmp5:
0xeb: {  	[sflag:s26] =	ssyncset.done $0x0;
	(pc) =	sbr.rel @p0 .LBB2_1-.Ltmp5, $4  }
0xec: {  	[sflag:s26] =	ssyncadd.s32 $0xFFFFF600  }
0xed: {  	_ =	swait.ge [sflag:s28], $0xA00  }
0xee: {  	[sflag:s28] =	ssyncset.done $0x0  }
0xef: {  	[sflag:s28] =	ssyncadd.s32 $0xFFFFF600  }
0xf0: {  	_ =	sfence.sel $0x180000  }
0xf1: {  	[bflag:$0x0] =	sbarrier.arrive $0xFFFF  }
0xf2: {  	_ =	strace $0x90000047  }
0xf3: {  	s0 =	stileid.u32;
	[bflag:$0x2] =	sbarrier.arrive $0xFFFF  }
0xf4: {  	p0 =	sne.s32 s0, $0x0;
	s0 =	rddreg [dreg:$0x2]  }
0xf5: {  	s0 =	sadd.s32 @!p0 $0x100000, s0  }
0xf6: {  	[sflag:s0] =	ssyncadd.tile.s32 @!p0 $0x1;
	_ =	shalt  }
.Lfunc_end2:
_tile_overlayer_lowered:
.L_overlay_start_2:
0xf7: {  	(tag) =	ssettag $0x2  }
0xf8: {  	s0 =	rddreg [dreg:$0x0];
	s2 =	stileid.u32  }
0xf9: {  	s1 =	rddreg [dreg:$0x1];
	p0 =	sne.s32 s2, $0x0  }
0xfa: {  	s3 =	rddreg [dreg:$0x2];
	[bflag:$0x3] =	sbarrier.arrive $0xFFFF;
	s2 =	simm.s32 @!p0 $0x1C07  }
0xfb: {  	[timem:s3], [sflag:s2] =	dma.local @!p0 [hbm:s0], s1  }
0xfc: {  	s0 =	simm.s32 @!p0 $0x7  }
0xfd: {  	_ =	swait.ge @!p0 [sflag:s0], s1  }
0xfe: {  	s1 =	ssub.s32 @!p0 $0x0, s1;
	[sflag:s0] =	ssyncset.done @!p0 $0x0  }
0xff: {  	[sflag:s0] =	ssyncadd.s32 @!p0 s1  }
0x100: {  	[bflag:$0x3] =	sbarrier.arrive $0xFFFF  }
0x101: {  	_ =	shalt  }

</sc_bundles>
